<compile_context>
chip_gen: v7x
topology: tpu7x:2x2x1
jax: 0.10.2.dev20260603
libtpu: 0.0.44.dev20260713+nightly
codegen_flags: <defaults>
</compile_context>

<pallas_src>
import functools

import jax
import jax.numpy as jnp
from jax import lax
from jax.experimental import pallas as pl
from jax.experimental.pallas import tpu as pltpu
from jax.experimental.pallas import tpu_sc as plsc

VOCAB = 1000000
TBW = 8192
SPLIT = TBW * 62
EMB = 64
N = 100000

NC = 2
NS = 16
NW = NC * NS
ROWS_PER_W = 3200
CH = 320
NBUF = 3
NCHUNK = ROWS_PER_W // CH
N_PAD = NW * ROWS_PER_W

TC_TILE = 2048


def _tc_repack(WT):
    grid = SPLIT // TBW
    noff = SPLIT // TBW

    def body(wt0_ref, wt1_ref, out_ref):
        x0 = wt0_ref[...]
        x1 = wt1_ref[...]
        xc = jnp.concatenate([x0, x1], axis=0)
        eye = jnp.eye(128, dtype=jnp.float32)
        out_ref[...] = lax.dot_general(
            xc, eye, (((0,), (0,)), ((), ())),
            preferred_element_type=jnp.float32)

    return pl.pallas_call(
        body,
        grid=(grid,),
        in_specs=[
            pl.BlockSpec((EMB, TBW), lambda i: (0, i)),
            pl.BlockSpec(
                (EMB, TBW),
                lambda i: (0, jnp.minimum(i + noff, VOCAB // TBW))),
        ],
        out_specs=pl.BlockSpec((TBW, 128), lambda i: (i, 0)),
        out_shape=jax.ShapeDtypeStruct((SPLIT, 128), jnp.float32),
    )(WT, WT)


def _sc_gather(W2, idxh):
    mesh = plsc.VectorSubcoreMesh(
        core_axis_name="c", subcore_axis_name="s",
        num_cores=NC, num_subcores=NS,
    )

    @functools.partial(
        pl.kernel,
        out_type=jax.ShapeDtypeStruct((N_PAD, 128), jnp.float32),
        mesh=mesh,
        scratch_types=[
            [pltpu.VMEM((CH,), jnp.int32) for _ in range(NBUF)],
            [pltpu.VMEM((CH, 128), jnp.float32) for _ in range(NBUF)],
            [pltpu.SemaphoreType.DMA for _ in range(NBUF)],
            [pltpu.SemaphoreType.DMA for _ in range(NBUF)],
        ],
    )
    def k(w_hbm, i_hbm, o_hbm, idx_vs, rows_vs, gsems, wsems):
        wid = lax.axis_index("c") * NS + lax.axis_index("s")

        def off(ci):
            return (ci * NW + wid) * CH

        def fire(ci):
            b = ci % NBUF
            pltpu.sync_copy(i_hbm.at[pl.ds(off(ci), CH)], idx_vs[b])
            pltpu.async_copy(w_hbm.at[idx_vs[b]], rows_vs[b], gsems[b])

        for ci in range(NBUF):
            fire(ci)
        for ci in range(NCHUNK):
            b = ci % NBUF
            pltpu.make_async_copy(
                w_hbm.at[idx_vs[b]], rows_vs[b], gsems[b]).wait()
            pltpu.async_copy(
                rows_vs[b], o_hbm.at[pl.ds(off(ci), CH)], wsems[b])
            nci = ci + NBUF
            if nci < NCHUNK:
                pltpu.make_async_copy(
                    rows_vs[b], o_hbm.at[pl.ds(off(ci), CH)], wsems[b]).wait()
                fire(nci)
        for ci in range(NCHUNK - NBUF, NCHUNK):
            b = ci % NBUF
            pltpu.make_async_copy(
                rows_vs[b], o_hbm.at[pl.ds(off(ci), CH)], wsems[b]).wait()

    return k(W2, idxh)


def _tc_bilinear(UG, VG, ui, vi, B00, bu, bv, c11):
    grid = N_PAD // TC_TILE

    def body(ug_ref, vg_ref, ui_ref, vi_ref, b00_ref, bu_ref, bv_ref, c_ref,
             out_ref):
        eye = jnp.eye(128, dtype=jnp.float32)

        def tr(x):
            return lax.dot_general(
                eye, x, (((1,), (1,)), ((), ())),
                preferred_element_type=jnp.float32)

        u_t = tr(ug_ref[...])
        v_t = tr(vg_ref[...])
        pu = (ui_ref[...] >= SPLIT).astype(jnp.float32).reshape(1, TC_TILE)
        pv = (vi_ref[...] >= SPLIT).astype(jnp.float32).reshape(1, TC_TILE)
        u_sel = u_t[:EMB] + pu * (u_t[EMB:] - u_t[:EMB])
        v_sel = v_t[:EMB] + pv * (v_t[EMB:] - v_t[:EMB])
        c_t = lax.dot_general(
            b00_ref[...], u_sel, (((0,), (0,)), ((), ())),
            preferred_element_type=jnp.float32)
        s = jnp.sum((c_t + bv_ref[...]) * v_sel, axis=0)
        t2 = jnp.sum(bu_ref[...] * u_sel, axis=0)
        out_ref[...] = s + t2 + c_ref[0, 0]

    return pl.pallas_call(
        body,
        grid=(grid,),
        in_specs=[
            pl.BlockSpec((TC_TILE, 128), lambda i: (i, 0)),
            pl.BlockSpec((TC_TILE, 128), lambda i: (i, 0)),
            pl.BlockSpec((TC_TILE,), lambda i: (i,)),
            pl.BlockSpec((TC_TILE,), lambda i: (i,)),
            pl.BlockSpec((EMB, EMB), lambda i: (0, 0)),
            pl.BlockSpec((EMB, 1), lambda i: (0, 0)),
            pl.BlockSpec((EMB, 1), lambda i: (0, 0)),
            pl.BlockSpec((1, 1), lambda i: (0, 0)),
        ],
        out_specs=pl.BlockSpec((TC_TILE,), lambda i: (i,)),
        out_shape=jax.ShapeDtypeStruct((N_PAD,), jnp.float32),
    )(UG, VG, ui, vi, B00, bu, bv, c11)


@jax.jit
def kernel(U, V, B, us_ind, vs_ind):
    pad = N_PAD - N
    ui = jnp.concatenate(
        [us_ind.astype(jnp.int32), jnp.zeros((pad,), jnp.int32)])
    vi = jnp.concatenate(
        [vs_ind.astype(jnp.int32), jnp.zeros((pad,), jnp.int32)])
    uih = jnp.where(ui >= SPLIT, ui - SPLIT, ui)
    vih = jnp.where(vi >= SPLIT, vi - SPLIT, vi)

    U2 = _tc_repack(U.T)
    UG = _sc_gather(U2, uih)
    V2 = _tc_repack(V.T)
    VG = _sc_gather(V2, vih)

    B00 = B[:EMB, :EMB]
    bu = B[:EMB, EMB:]
    bv = B[EMB:, :EMB].T
    c11 = B[EMB:, EMB:]
    out = _tc_bilinear(UG, VG, ui, vi, B00, bu, bv, c11)
    return out[:N]

# --- scband reference (transcript-rebuilt; emitter-appended) ---
"""Pipeline reference for scband-model-torch-2783138808299 (READ-ONLY COPY).

The authoritative reference and input builder live on the scoring server;
editing this copy changes nothing except your own understanding.
"""

import jax, jax.numpy as jnp
import numpy as np

VOCAB = 1000000
EMB = 64
N = 100000
BSIZE = EMB + 1  # lin=True adds bias column


def setup_inputs(seed: int = 0) -> dict:
    key = jax.random.key(seed)
    k1, k2, k3, k4, k5 = jax.random.split(key, 5)
    us_ind = jax.random.randint(k1, (N,), 0, VOCAB)
    vs_ind = jax.random.randint(k2, (N,), 0, VOCAB)
    U = jax.random.normal(k3, (VOCAB, EMB), dtype=jnp.float32) * 0.01
    V = jax.random.normal(k4, (VOCAB, EMB), dtype=jnp.float32) * 0.01
    B = jax.random.normal(k5, (BSIZE, BSIZE), dtype=jnp.float32) * 0.001
    return {"U": U, "V": V, "B": B, "us_ind": us_ind, "vs_ind": vs_ind}


def reference(U, V, B, us_ind, vs_ind):
    # lin=True path of ModelTorch.forward with r_ind selecting relation matrix B
    ones = jnp.ones((U.shape[0], 1), dtype=U.dtype)
    U1 = jnp.concatenate([U, ones], axis=1)
    V1 = jnp.concatenate([V, ones], axis=1)
    Us = jnp.take(U1, us_ind, axis=0)
    Vs = jnp.take(V1, vs_ind, axis=0)
    act = jnp.sum((Us @ B) * Vs, axis=1)
    return act

if __name__ == "__main__":
    import jax
    _d = setup_inputs()
    print(jax.jit(kernel)(*tuple(_d.values())))

</pallas_src>

<mosaic_0001>
#map = affine_map<(d0, d1) -> (0, 0)>
#map1 = affine_map<(d0, d1) -> (0)>
module attributes {stable_mosaic.version = 14 : i64} {
  func.func @k(%arg0: i32, %arg1: i32, %arg2: memref<507904x128xf32, #tpu.memory_space<hbm>>, %arg3: memref<102400xi32, #tpu.memory_space<hbm>>, %arg4: memref<102400x128xf32, #tpu.memory_space<hbm>>, %arg5: memref<320xi32, #tpu.memory_space<vmem>>, %arg6: memref<320xi32, #tpu.memory_space<vmem>>, %arg7: memref<320xi32, #tpu.memory_space<vmem>>, %arg8: memref<320x128xf32, #tpu.memory_space<vmem>>, %arg9: memref<320x128xf32, #tpu.memory_space<vmem>>, %arg10: memref<320x128xf32, #tpu.memory_space<vmem>>, %arg11: memref<!tpu.dma_semaphore, #tpu.memory_space<semaphore_mem>>, %arg12: memref<!tpu.dma_semaphore, #tpu.memory_space<semaphore_mem>>, %arg13: memref<!tpu.dma_semaphore, #tpu.memory_space<semaphore_mem>>, %arg14: memref<!tpu.dma_semaphore, #tpu.memory_space<semaphore_mem>>, %arg15: memref<!tpu.dma_semaphore, #tpu.memory_space<semaphore_mem>>, %arg16: memref<!tpu.dma_semaphore, #tpu.memory_space<semaphore_mem>>) attributes {dimension_semantics = [#tpu.dimension_semantics<core_parallel>, #tpu.dimension_semantics<subcore_parallel>], iteration_bounds = array<i64: 2, 16>, scalar_prefetch = 0 : i64, scratch_operands = 12 : i64, tpu.core_type = #tpu.core_type<sc_vector_subcore>, window_params = [{transform_indices = #map}, {transform_indices = #map1}, {transform_indices = #map}]} {
    %mul3A = arith.constant 16 : i32
    %mul3A_0 = arith.muli %arg0, %mul3A : i32
    %add3A = arith.addi %mul3A_0, %arg1 : i32
    %add3A_1 = arith.constant 0 : i32
    %add3A_2 = arith.addi %add3A_1, %add3A : i32
    %mul3A_3 = arith.constant 320 : i32
    %mul3A_4 = arith.muli %add3A_2, %mul3A_3 : i32
    "tpu.region"() ({
      %run_scoped3A = tpu.sem_alloc : memref<!tpu.dma_semaphore, #tpu.memory_space<semaphore_mem>>
      %dma_start3A_259 = tpu.memref_slice %arg3[%mul3A_4] : memref<102400xi32, #tpu.memory_space<hbm>> -> memref<320xi32, #tpu.memory_space<hbm>>
      %dma_start3A_260 = tpu.memref_slice %arg3[%mul3A_4] : memref<102400xi32, #tpu.memory_space<hbm>> -> memref<320xi32, #tpu.memory_space<hbm>>
      tpu.enqueue_dma source(%dma_start3A_260 : memref<320xi32, #tpu.memory_space<hbm>>) target(%arg5 : memref<320xi32, #tpu.memory_space<vmem>>) target_semaphore(%run_scoped3A : memref<!tpu.dma_semaphore, #tpu.memory_space<semaphore_mem>>)
      %dma_wait3A_261 = tpu.memref_slice %arg3[%mul3A_4] : memref<102400xi32, #tpu.memory_space<hbm>> -> memref<320xi32, #tpu.memory_space<hbm>>
      %dma_wait3A_262 = tpu.memref_slice %arg3[%mul3A_4] : memref<102400xi32, #tpu.memory_space<hbm>> -> memref<320xi32, #tpu.memory_space<hbm>>
      tpu.wait_dma2 semaphore(%run_scoped3A : memref<!tpu.dma_semaphore, #tpu.memory_space<semaphore_mem>>) src(%dma_wait3A_262 : memref<320xi32, #tpu.memory_space<hbm>>) dst(%arg5 : memref<320xi32, #tpu.memory_space<vmem>>)
      tpu.yield
    }) : () -> ()
    %dma_start3A = arith.constant 0 : i32
    %dma_start3A_5 = arith.constant 0 : i32
    %dma_start3A_6 = tpu.memref_slice %arg2[%dma_start3A, %dma_start3A_5] : memref<507904x128xf32, #tpu.memory_space<hbm>> -> memref<507904x128xf32, #tpu.memory_space<hbm>>
    tpu.enqueue_indirect_dma source(%dma_start3A_6 : memref<507904x128xf32, #tpu.memory_space<hbm>>) target(%arg8 : memref<320x128xf32, #tpu.memory_space<vmem>>) offsets(%arg5 : memref<320xi32, #tpu.memory_space<vmem>>) semaphore(%arg11 : memref<!tpu.dma_semaphore, #tpu.memory_space<semaphore_mem>>)
    %add3A_7 = arith.constant 32 : i32
    %add3A_8 = arith.addi %add3A_7, %add3A : i32
    %mul3A_9 = arith.constant 320 : i32
    %mul3A_10 = arith.muli %add3A_8, %mul3A_9 : i32
    "tpu.region"() ({
      %run_scoped3A = tpu.sem_alloc : memref<!tpu.dma_semaphore, #tpu.memory_space<semaphore_mem>>
      %dma_start3A_259 = tpu.memref_slice %arg3[%mul3A_10] : memref<102400xi32, #tpu.memory_space<hbm>> -> memref<320xi32, #tpu.memory_space<hbm>>
      %dma_start3A_260 = tpu.memref_slice %arg3[%mul3A_10] : memref<102400xi32, #tpu.memory_space<hbm>> -> memref<320xi32, #tpu.memory_space<hbm>>
      tpu.enqueue_dma source(%dma_start3A_260 : memref<320xi32, #tpu.memory_space<hbm>>) target(%arg6 : memref<320xi32, #tpu.memory_space<vmem>>) target_semaphore(%run_scoped3A : memref<!tpu.dma_semaphore, #tpu.memory_space<semaphore_mem>>)
      %dma_wait3A_261 = tpu.memref_slice %arg3[%mul3A_10] : memref<102400xi32, #tpu.memory_space<hbm>> -> memref<320xi32, #tpu.memory_space<hbm>>
      %dma_wait3A_262 = tpu.memref_slice %arg3[%mul3A_10] : memref<102400xi32, #tpu.memory_space<hbm>> -> memref<320xi32, #tpu.memory_space<hbm>>
      tpu.wait_dma2 semaphore(%run_scoped3A : memref<!tpu.dma_semaphore, #tpu.memory_space<semaphore_mem>>) src(%dma_wait3A_262 : memref<320xi32, #tpu.memory_space<hbm>>) dst(%arg6 : memref<320xi32, #tpu.memory_space<vmem>>)
      tpu.yield
    }) : () -> ()
    %dma_start3A_11 = arith.constant 0 : i32
    %dma_start3A_12 = arith.constant 0 : i32
    %dma_start3A_13 = tpu.memref_slice %arg2[%dma_start3A_11, %dma_start3A_12] : memref<507904x128xf32, #tpu.memory_space<hbm>> -> memref<507904x128xf32, #tpu.memory_space<hbm>>
    tpu.enqueue_indirect_dma source(%dma_start3A_13 : memref<507904x128xf32, #tpu.memory_space<hbm>>) target(%arg9 : memref<320x128xf32, #tpu.memory_space<vmem>>) offsets(%arg6 : memref<320xi32, #tpu.memory_space<vmem>>) semaphore(%arg12 : memref<!tpu.dma_semaphore, #tpu.memory_space<semaphore_mem>>)
    %add3A_14 = arith.constant 64 : i32
    %add3A_15 = arith.addi %add3A_14, %add3A : i32
    %mul3A_16 = arith.constant 320 : i32
    %mul3A_17 = arith.muli %add3A_15, %mul3A_16 : i32
    "tpu.region"() ({
      %run_scoped3A = tpu.sem_alloc : memref<!tpu.dma_semaphore, #tpu.memory_space<semaphore_mem>>
      %dma_start3A_259 = tpu.memref_slice %arg3[%mul3A_17] : memref<102400xi32, #tpu.memory_space<hbm>> -> memref<320xi32, #tpu.memory_space<hbm>>
      %dma_start3A_260 = tpu.memref_slice %arg3[%mul3A_17] : memref<102400xi32, #tpu.memory_space<hbm>> -> memref<320xi32, #tpu.memory_space<hbm>>
      tpu.enqueue_dma source(%dma_start3A_260 : memref<320xi32, #tpu.memory_space<hbm>>) target(%arg7 : memref<320xi32, #tpu.memory_space<vmem>>) target_semaphore(%run_scoped3A : memref<!tpu.dma_semaphore, #tpu.memory_space<semaphore_mem>>)
      %dma_wait3A_261 = tpu.memref_slice %arg3[%mul3A_17] : memref<102400xi32, #tpu.memory_space<hbm>> -> memref<320xi32, #tpu.memory_space<hbm>>
      %dma_wait3A_262 = tpu.memref_slice %arg3[%mul3A_17] : memref<102400xi32, #tpu.memory_space<hbm>> -> memref<320xi32, #tpu.memory_space<hbm>>
      tpu.wait_dma2 semaphore(%run_scoped3A : memref<!tpu.dma_semaphore, #tpu.memory_space<semaphore_mem>>) src(%dma_wait3A_262 : memref<320xi32, #tpu.memory_space<hbm>>) dst(%arg7 : memref<320xi32, #tpu.memory_space<vmem>>)
      tpu.yield
    }) : () -> ()
    %dma_start3A_18 = arith.constant 0 : i32
    %dma_start3A_19 = arith.constant 0 : i32
    %dma_start3A_20 = tpu.memref_slice %arg2[%dma_start3A_18, %dma_start3A_19] : memref<507904x128xf32, #tpu.memory_space<hbm>> -> memref<507904x128xf32, #tpu.memory_space<hbm>>
    tpu.enqueue_indirect_dma source(%dma_start3A_20 : memref<507904x128xf32, #tpu.memory_space<hbm>>) target(%arg10 : memref<320x128xf32, #tpu.memory_space<vmem>>) offsets(%arg7 : memref<320xi32, #tpu.memory_space<vmem>>) semaphore(%arg13 : memref<!tpu.dma_semaphore, #tpu.memory_space<semaphore_mem>>)
    %dma_wait3A = arith.constant 0 : i32
    %dma_wait3A_21 = arith.constant 0 : i32
    %dma_wait3A_22 = tpu.memref_slice %arg2[%dma_wait3A, %dma_wait3A_21] : memref<507904x128xf32, #tpu.memory_space<hbm>> -> memref<507904x128xf32, #tpu.memory_space<hbm>>
    tpu.wait_indirect_dma semaphore(%arg11 : memref<!tpu.dma_semaphore, #tpu.memory_space<semaphore_mem>>) src(%dma_wait3A_22 : memref<507904x128xf32, #tpu.memory_space<hbm>>) dst(%arg8 : memref<320x128xf32, #tpu.memory_space<vmem>>)
    %add3A_23 = arith.constant 0 : i32
    %add3A_24 = arith.addi %add3A_23, %add3A : i32
    %mul3A_25 = arith.constant 320 : i32
    %mul3A_26 = arith.muli %add3A_24, %mul3A_25 : i32
    %dma_start3A_27 = arith.constant 0 : i32
    %dma_start3A_28 = tpu.memref_slice %arg4[%mul3A_26, %dma_start3A_27] : memref<102400x128xf32, #tpu.memory_space<hbm>> -> memref<320x128xf32, #tpu.memory_space<hbm>>
    %dma_start3A_29 = arith.constant 0 : i32
    %dma_start3A_30 = tpu.memref_slice %arg4[%mul3A_26, %dma_start3A_29] : memref<102400x128xf32, #tpu.memory_space<hbm>> -> memref<320x128xf32, #tpu.memory_space<hbm>>
    tpu.enqueue_dma source(%arg8 : memref<320x128xf32, #tpu.memory_space<vmem>>) target(%dma_start3A_30 : memref<320x128xf32, #tpu.memory_space<hbm>>) target_semaphore(%arg14 : memref<!tpu.dma_semaphore, #tpu.memory_space<semaphore_mem>>)
    %add3A_31 = arith.constant 0 : i32
    %add3A_32 = arith.addi %add3A_31, %add3A : i32
    %mul3A_33 = arith.constant 320 : i32
    %mul3A_34 = arith.muli %add3A_32, %mul3A_33 : i32
    %dma_wait3A_35 = arith.constant 0 : i32
    %dma_wait3A_36 = tpu.memref_slice %arg4[%mul3A_34, %dma_wait3A_35] : memref<102400x128xf32, #tpu.memory_space<hbm>> -> memref<320x128xf32, #tpu.memory_space<hbm>>
    %dma_wait3A_37 = arith.constant 0 : i32
    %dma_wait3A_38 = tpu.memref_slice %arg4[%mul3A_34, %dma_wait3A_37] : memref<102400x128xf32, #tpu.memory_space<hbm>> -> memref<320x128xf32, #tpu.memory_space<hbm>>
    tpu.wait_dma2 semaphore(%arg14 : memref<!tpu.dma_semaphore, #tpu.memory_space<semaphore_mem>>) src(%arg8 : memref<320x128xf32, #tpu.memory_space<vmem>>) dst(%dma_wait3A_38 : memref<320x128xf32, #tpu.memory_space<hbm>>)
    %add3A_39 = arith.constant 96 : i32
    %add3A_40 = arith.addi %add3A_39, %add3A : i32
    %mul3A_41 = arith.constant 320 : i32
    %mul3A_42 = arith.muli %add3A_40, %mul3A_41 : i32
    "tpu.region"() ({
      %run_scoped3A = tpu.sem_alloc : memref<!tpu.dma_semaphore, #tpu.memory_space<semaphore_mem>>
      %dma_start3A_259 = tpu.memref_slice %arg3[%mul3A_42] : memref<102400xi32, #tpu.memory_space<hbm>> -> memref<320xi32, #tpu.memory_space<hbm>>
      %dma_start3A_260 = tpu.memref_slice %arg3[%mul3A_42] : memref<102400xi32, #tpu.memory_space<hbm>> -> memref<320xi32, #tpu.memory_space<hbm>>
      tpu.enqueue_dma source(%dma_start3A_260 : memref<320xi32, #tpu.memory_space<hbm>>) target(%arg5 : memref<320xi32, #tpu.memory_space<vmem>>) target_semaphore(%run_scoped3A : memref<!tpu.dma_semaphore, #tpu.memory_space<semaphore_mem>>)
      %dma_wait3A_261 = tpu.memref_slice %arg3[%mul3A_42] : memref<102400xi32, #tpu.memory_space<hbm>> -> memref<320xi32, #tpu.memory_space<hbm>>
      %dma_wait3A_262 = tpu.memref_slice %arg3[%mul3A_42] : memref<102400xi32, #tpu.memory_space<hbm>> -> memref<320xi32, #tpu.memory_space<hbm>>
      tpu.wait_dma2 semaphore(%run_scoped3A : memref<!tpu.dma_semaphore, #tpu.memory_space<semaphore_mem>>) src(%dma_wait3A_262 : memref<320xi32, #tpu.memory_space<hbm>>) dst(%arg5 : memref<320xi32, #tpu.memory_space<vmem>>)
      tpu.yield
    }) : () -> ()
    %dma_start3A_43 = arith.constant 0 : i32
    %dma_start3A_44 = arith.constant 0 : i32
    %dma_start3A_45 = tpu.memref_slice %arg2[%dma_start3A_43, %dma_start3A_44] : memref<507904x128xf32, #tpu.memory_space<hbm>> -> memref<507904x128xf32, #tpu.memory_space<hbm>>
    tpu.enqueue_indirect_dma source(%dma_start3A_45 : memref<507904x128xf32, #tpu.memory_space<hbm>>) target(%arg8 : memref<320x128xf32, #tpu.memory_space<vmem>>) offsets(%arg5 : memref<320xi32, #tpu.memory_space<vmem>>) semaphore(%arg11 : memref<!tpu.dma_semaphore, #tpu.memory_space<semaphore_mem>>)
    %dma_wait3A_46 = arith.constant 0 : i32
    %dma_wait3A_47 = arith.constant 0 : i32
    %dma_wait3A_48 = tpu.memref_slice %arg2[%dma_wait3A_46, %dma_wait3A_47] : memref<507904x128xf32, #tpu.memory_space<hbm>> -> memref<507904x128xf32, #tpu.memory_space<hbm>>
    tpu.wait_indirect_dma semaphore(%arg12 : memref<!tpu.dma_semaphore, #tpu.memory_space<semaphore_mem>>) src(%dma_wait3A_48 : memref<507904x128xf32, #tpu.memory_space<hbm>>) dst(%arg9 : memref<320x128xf32, #tpu.memory_space<vmem>>)
    %add3A_49 = arith.constant 32 : i32
    %add3A_50 = arith.addi %add3A_49, %add3A : i32
    %mul3A_51 = arith.constant 320 : i32
    %mul3A_52 = arith.muli %add3A_50, %mul3A_51 : i32
    %dma_start3A_53 = arith.constant 0 : i32
    %dma_start3A_54 = tpu.memref_slice %arg4[%mul3A_52, %dma_start3A_53] : memref<102400x128xf32, #tpu.memory_space<hbm>> -> memref<320x128xf32, #tpu.memory_space<hbm>>
    %dma_start3A_55 = arith.constant 0 : i32
    %dma_start3A_56 = tpu.memref_slice %arg4[%mul3A_52, %dma_start3A_55] : memref<102400x128xf32, #tpu.memory_space<hbm>> -> memref<320x128xf32, #tpu.memory_space<hbm>>
    tpu.enqueue_dma source(%arg9 : memref<320x128xf32, #tpu.memory_space<vmem>>) target(%dma_start3A_56 : memref<320x128xf32, #tpu.memory_space<hbm>>) target_semaphore(%arg15 : memref<!tpu.dma_semaphore, #tpu.memory_space<semaphore_mem>>)
    %add3A_57 = arith.constant 32 : i32
    %add3A_58 = arith.addi %add3A_57, %add3A : i32
    %mul3A_59 = arith.constant 320 : i32
    %mul3A_60 = arith.muli %add3A_58, %mul3A_59 : i32
    %dma_wait3A_61 = arith.constant 0 : i32
    %dma_wait3A_62 = tpu.memref_slice %arg4[%mul3A_60, %dma_wait3A_61] : memref<102400x128xf32, #tpu.memory_space<hbm>> -> memref<320x128xf32, #tpu.memory_space<hbm>>
    %dma_wait3A_63 = arith.constant 0 : i32
    %dma_wait3A_64 = tpu.memref_slice %arg4[%mul3A_60, %dma_wait3A_63] : memref<102400x128xf32, #tpu.memory_space<hbm>> -> memref<320x128xf32, #tpu.memory_space<hbm>>
    tpu.wait_dma2 semaphore(%arg15 : memref<!tpu.dma_semaphore, #tpu.memory_space<semaphore_mem>>) src(%arg9 : memref<320x128xf32, #tpu.memory_space<vmem>>) dst(%dma_wait3A_64 : memref<320x128xf32, #tpu.memory_space<hbm>>)
    %add3A_65 = arith.constant 128 : i32
    %add3A_66 = arith.addi %add3A_65, %add3A : i32
    %mul3A_67 = arith.constant 320 : i32
    %mul3A_68 = arith.muli %add3A_66, %mul3A_67 : i32
    "tpu.region"() ({
      %run_scoped3A = tpu.sem_alloc : memref<!tpu.dma_semaphore, #tpu.memory_space<semaphore_mem>>
      %dma_start3A_259 = tpu.memref_slice %arg3[%mul3A_68] : memref<102400xi32, #tpu.memory_space<hbm>> -> memref<320xi32, #tpu.memory_space<hbm>>
      %dma_start3A_260 = tpu.memref_slice %arg3[%mul3A_68] : memref<102400xi32, #tpu.memory_space<hbm>> -> memref<320xi32, #tpu.memory_space<hbm>>
      tpu.enqueue_dma source(%dma_start3A_260 : memref<320xi32, #tpu.memory_space<hbm>>) target(%arg6 : memref<320xi32, #tpu.memory_space<vmem>>) target_semaphore(%run_scoped3A : memref<!tpu.dma_semaphore, #tpu.memory_space<semaphore_mem>>)
      %dma_wait3A_261 = tpu.memref_slice %arg3[%mul3A_68] : memref<102400xi32, #tpu.memory_space<hbm>> -> memref<320xi32, #tpu.memory_space<hbm>>
      %dma_wait3A_262 = tpu.memref_slice %arg3[%mul3A_68] : memref<102400xi32, #tpu.memory_space<hbm>> -> memref<320xi32, #tpu.memory_space<hbm>>
      tpu.wait_dma2 semaphore(%run_scoped3A : memref<!tpu.dma_semaphore, #tpu.memory_space<semaphore_mem>>) src(%dma_wait3A_262 : memref<320xi32, #tpu.memory_space<hbm>>) dst(%arg6 : memref<320xi32, #tpu.memory_space<vmem>>)
      tpu.yield
    }) : () -> ()
    %dma_start3A_69 = arith.constant 0 : i32
    %dma_start3A_70 = arith.constant 0 : i32
    %dma_start3A_71 = tpu.memref_slice %arg2[%dma_start3A_69, %dma_start3A_70] : memref<507904x128xf32, #tpu.memory_space<hbm>> -> memref<507904x128xf32, #tpu.memory_space<hbm>>
    tpu.enqueue_indirect_dma source(%dma_start3A_71 : memref<507904x128xf32, #tpu.memory_space<hbm>>) target(%arg9 : memref<320x128xf32, #tpu.memory_space<vmem>>) offsets(%arg6 : memref<320xi32, #tpu.memory_space<vmem>>) semaphore(%arg12 : memref<!tpu.dma_semaphore, #tpu.memory_space<semaphore_mem>>)
    %dma_wait3A_72 = arith.constant 0 : i32
    %dma_wait3A_73 = arith.constant 0 : i32
    %dma_wait3A_74 = tpu.memref_slice %arg2[%dma_wait3A_72, %dma_wait3A_73] : memref<507904x128xf32, #tpu.memory_space<hbm>> -> memref<507904x128xf32, #tpu.memory_space<hbm>>
    tpu.wait_indirect_dma semaphore(%arg13 : memref<!tpu.dma_semaphore, #tpu.memory_space<semaphore_mem>>) src(%dma_wait3A_74 : memref<507904x128xf32, #tpu.memory_space<hbm>>) dst(%arg10 : memref<320x128xf32, #tpu.memory_space<vmem>>)
    %add3A_75 = arith.constant 64 : i32
    %add3A_76 = arith.addi %add3A_75, %add3A : i32
    %mul3A_77 = arith.constant 320 : i32
    %mul3A_78 = arith.muli %add3A_76, %mul3A_77 : i32
    %dma_start3A_79 = arith.constant 0 : i32
    %dma_start3A_80 = tpu.memref_slice %arg4[%mul3A_78, %dma_start3A_79] : memref<102400x128xf32, #tpu.memory_space<hbm>> -> memref<320x128xf32, #tpu.memory_space<hbm>>
    %dma_start3A_81 = arith.constant 0 : i32
    %dma_start3A_82 = tpu.memref_slice %arg4[%mul3A_78, %dma_start3A_81] : memref<102400x128xf32, #tpu.memory_space<hbm>> -> memref<320x128xf32, #tpu.memory_space<hbm>>
    tpu.enqueue_dma source(%arg10 : memref<320x128xf32, #tpu.memory_space<vmem>>) target(%dma_start3A_82 : memref<320x128xf32, #tpu.memory_space<hbm>>) target_semaphore(%arg16 : memref<!tpu.dma_semaphore, #tpu.memory_space<semaphore_mem>>)
    %add3A_83 = arith.constant 64 : i32
    %add3A_84 = arith.addi %add3A_83, %add3A : i32
    %mul3A_85 = arith.constant 320 : i32
    %mul3A_86 = arith.muli %add3A_84, %mul3A_85 : i32
    %dma_wait3A_87 = arith.constant 0 : i32
    %dma_wait3A_88 = tpu.memref_slice %arg4[%mul3A_86, %dma_wait3A_87] : memref<102400x128xf32, #tpu.memory_space<hbm>> -> memref<320x128xf32, #tpu.memory_space<hbm>>
    %dma_wait3A_89 = arith.constant 0 : i32
    %dma_wait3A_90 = tpu.memref_slice %arg4[%mul3A_86, %dma_wait3A_89] : memref<102400x128xf32, #tpu.memory_space<hbm>> -> memref<320x128xf32, #tpu.memory_space<hbm>>
    tpu.wait_dma2 semaphore(%arg16 : memref<!tpu.dma_semaphore, #tpu.memory_space<semaphore_mem>>) src(%arg10 : memref<320x128xf32, #tpu.memory_space<vmem>>) dst(%dma_wait3A_90 : memref<320x128xf32, #tpu.memory_space<hbm>>)
    %add3A_91 = arith.constant 160 : i32
    %add3A_92 = arith.addi %add3A_91, %add3A : i32
    %mul3A_93 = arith.constant 320 : i32
    %mul3A_94 = arith.muli %add3A_92, %mul3A_93 : i32
    "tpu.region"() ({
      %run_scoped3A = tpu.sem_alloc : memref<!tpu.dma_semaphore, #tpu.memory_space<semaphore_mem>>
      %dma_start3A_259 = tpu.memref_slice %arg3[%mul3A_94] : memref<102400xi32, #tpu.memory_space<hbm>> -> memref<320xi32, #tpu.memory_space<hbm>>
      %dma_start3A_260 = tpu.memref_slice %arg3[%mul3A_94] : memref<102400xi32, #tpu.memory_space<hbm>> -> memref<320xi32, #tpu.memory_space<hbm>>
      tpu.enqueue_dma source(%dma_start3A_260 : memref<320xi32, #tpu.memory_space<hbm>>) target(%arg7 : memref<320xi32, #tpu.memory_space<vmem>>) target_semaphore(%run_scoped3A : memref<!tpu.dma_semaphore, #tpu.memory_space<semaphore_mem>>)
      %dma_wait3A_261 = tpu.memref_slice %arg3[%mul3A_94] : memref<102400xi32, #tpu.memory_space<hbm>> -> memref<320xi32, #tpu.memory_space<hbm>>
      %dma_wait3A_262 = tpu.memref_slice %arg3[%mul3A_94] : memref<102400xi32, #tpu.memory_space<hbm>> -> memref<320xi32, #tpu.memory_space<hbm>>
      tpu.wait_dma2 semaphore(%run_scoped3A : memref<!tpu.dma_semaphore, #tpu.memory_space<semaphore_mem>>) src(%dma_wait3A_262 : memref<320xi32, #tpu.memory_space<hbm>>) dst(%arg7 : memref<320xi32, #tpu.memory_space<vmem>>)
      tpu.yield
    }) : () -> ()
    %dma_start3A_95 = arith.constant 0 : i32
    %dma_start3A_96 = arith.constant 0 : i32
    %dma_start3A_97 = tpu.memref_slice %arg2[%dma_start3A_95, %dma_start3A_96] : memref<507904x128xf32, #tpu.memory_space<hbm>> -> memref<507904x128xf32, #tpu.memory_space<hbm>>
    tpu.enqueue_indirect_dma source(%dma_start3A_97 : memref<507904x128xf32, #tpu.memory_space<hbm>>) target(%arg10 : memref<320x128xf32, #tpu.memory_space<vmem>>) offsets(%arg7 : memref<320xi32, #tpu.memory_space<vmem>>) semaphore(%arg13 : memref<!tpu.dma_semaphore, #tpu.memory_space<semaphore_mem>>)
    %dma_wait3A_98 = arith.constant 0 : i32
    %dma_wait3A_99 = arith.constant 0 : i32
    %dma_wait3A_100 = tpu.memref_slice %arg2[%dma_wait3A_98, %dma_wait3A_99] : memref<507904x128xf32, #tpu.memory_space<hbm>> -> memref<507904x128xf32, #tpu.memory_space<hbm>>
    tpu.wait_indirect_dma semaphore(%arg11 : memref<!tpu.dma_semaphore, #tpu.memory_space<semaphore_mem>>) src(%dma_wait3A_100 : memref<507904x128xf32, #tpu.memory_space<hbm>>) dst(%arg8 : memref<320x128xf32, #tpu.memory_space<vmem>>)
    %add3A_101 = arith.constant 96 : i32
    %add3A_102 = arith.addi %add3A_101, %add3A : i32
    %mul3A_103 = arith.constant 320 : i32
    %mul3A_104 = arith.muli %add3A_102, %mul3A_103 : i32
    %dma_start3A_105 = arith.constant 0 : i32
    %dma_start3A_106 = tpu.memref_slice %arg4[%mul3A_104, %dma_start3A_105] : memref<102400x128xf32, #tpu.memory_space<hbm>> -> memref<320x128xf32, #tpu.memory_space<hbm>>
    %dma_start3A_107 = arith.constant 0 : i32
    %dma_start3A_108 = tpu.memref_slice %arg4[%mul3A_104, %dma_start3A_107] : memref<102400x128xf32, #tpu.memory_space<hbm>> -> memref<320x128xf32, #tpu.memory_space<hbm>>
    tpu.enqueue_dma source(%arg8 : memref<320x128xf32, #tpu.memory_space<vmem>>) target(%dma_start3A_108 : memref<320x128xf32, #tpu.memory_space<hbm>>) target_semaphore(%arg14 : memref<!tpu.dma_semaphore, #tpu.memory_space<semaphore_mem>>)
    %add3A_109 = arith.constant 96 : i32
    %add3A_110 = arith.addi %add3A_109, %add3A : i32
    %mul3A_111 = arith.constant 320 : i32
    %mul3A_112 = arith.muli %add3A_110, %mul3A_111 : i32
    %dma_wait3A_113 = arith.constant 0 : i32
    %dma_wait3A_114 = tpu.memref_slice %arg4[%mul3A_112, %dma_wait3A_113] : memref<102400x128xf32, #tpu.memory_space<hbm>> -> memref<320x128xf32, #tpu.memory_space<hbm>>
    %dma_wait3A_115 = arith.constant 0 : i32
    %dma_wait3A_116 = tpu.memref_slice %arg4[%mul3A_112, %dma_wait3A_115] : memref<102400x128xf32, #tpu.memory_space<hbm>> -> memref<320x128xf32, #tpu.memory_space<hbm>>
    tpu.wait_dma2 semaphore(%arg14 : memref<!tpu.dma_semaphore, #tpu.memory_space<semaphore_mem>>) src(%arg8 : memref<320x128xf32, #tpu.memory_space<vmem>>) dst(%dma_wait3A_116 : memref<320x128xf32, #tpu.memory_space<hbm>>)
    %add3A_117 = arith.constant 192 : i32
    %add3A_118 = arith.addi %add3A_117, %add3A : i32
    %mul3A_119 = arith.constant 320 : i32
    %mul3A_120 = arith.muli %add3A_118, %mul3A_119 : i32
    "tpu.region"() ({
      %run_scoped3A = tpu.sem_alloc : memref<!tpu.dma_semaphore, #tpu.memory_space<semaphore_mem>>
      %dma_start3A_259 = tpu.memref_slice %arg3[%mul3A_120] : memref<102400xi32, #tpu.memory_space<hbm>> -> memref<320xi32, #tpu.memory_space<hbm>>
      %dma_start3A_260 = tpu.memref_slice %arg3[%mul3A_120] : memref<102400xi32, #tpu.memory_space<hbm>> -> memref<320xi32, #tpu.memory_space<hbm>>
      tpu.enqueue_dma source(%dma_start3A_260 : memref<320xi32, #tpu.memory_space<hbm>>) target(%arg5 : memref<320xi32, #tpu.memory_space<vmem>>) target_semaphore(%run_scoped3A : memref<!tpu.dma_semaphore, #tpu.memory_space<semaphore_mem>>)
      %dma_wait3A_261 = tpu.memref_slice %arg3[%mul3A_120] : memref<102400xi32, #tpu.memory_space<hbm>> -> memref<320xi32, #tpu.memory_space<hbm>>
      %dma_wait3A_262 = tpu.memref_slice %arg3[%mul3A_120] : memref<102400xi32, #tpu.memory_space<hbm>> -> memref<320xi32, #tpu.memory_space<hbm>>
      tpu.wait_dma2 semaphore(%run_scoped3A : memref<!tpu.dma_semaphore, #tpu.memory_space<semaphore_mem>>) src(%dma_wait3A_262 : memref<320xi32, #tpu.memory_space<hbm>>) dst(%arg5 : memref<320xi32, #tpu.memory_space<vmem>>)
      tpu.yield
    }) : () -> ()
    %dma_start3A_121 = arith.constant 0 : i32
    %dma_start3A_122 = arith.constant 0 : i32
    %dma_start3A_123 = tpu.memref_slice %arg2[%dma_start3A_121, %dma_start3A_122] : memref<507904x128xf32, #tpu.memory_space<hbm>> -> memref<507904x128xf32, #tpu.memory_space<hbm>>
    tpu.enqueue_indirect_dma source(%dma_start3A_123 : memref<507904x128xf32, #tpu.memory_space<hbm>>) target(%arg8 : memref<320x128xf32, #tpu.memory_space<vmem>>) offsets(%arg5 : memref<320xi32, #tpu.memory_space<vmem>>) semaphore(%arg11 : memref<!tpu.dma_semaphore, #tpu.memory_space<semaphore_mem>>)
    %dma_wait3A_124 = arith.constant 0 : i32
    %dma_wait3A_125 = arith.constant 0 : i32
    %dma_wait3A_126 = tpu.memref_slice %arg2[%dma_wait3A_124, %dma_wait3A_125] : memref<507904x128xf32, #tpu.memory_space<hbm>> -> memref<507904x128xf32, #tpu.memory_space<hbm>>
    tpu.wait_indirect_dma semaphore(%arg12 : memref<!tpu.dma_semaphore, #tpu.memory_space<semaphore_mem>>) src(%dma_wait3A_126 : memref<507904x128xf32, #tpu.memory_space<hbm>>) dst(%arg9 : memref<320x128xf32, #tpu.memory_space<vmem>>)
    %add3A_127 = arith.constant 128 : i32
    %add3A_128 = arith.addi %add3A_127, %add3A : i32
    %mul3A_129 = arith.constant 320 : i32
    %mul3A_130 = arith.muli %add3A_128, %mul3A_129 : i32
    %dma_start3A_131 = arith.constant 0 : i32
    %dma_start3A_132 = tpu.memref_slice %arg4[%mul3A_130, %dma_start3A_131] : memref<102400x128xf32, #tpu.memory_space<hbm>> -> memref<320x128xf32, #tpu.memory_space<hbm>>
    %dma_start3A_133 = arith.constant 0 : i32
    %dma_start3A_134 = tpu.memref_slice %arg4[%mul3A_130, %dma_start3A_133] : memref<102400x128xf32, #tpu.memory_space<hbm>> -> memref<320x128xf32, #tpu.memory_space<hbm>>
    tpu.enqueue_dma source(%arg9 : memref<320x128xf32, #tpu.memory_space<vmem>>) target(%dma_start3A_134 : memref<320x128xf32, #tpu.memory_space<hbm>>) target_semaphore(%arg15 : memref<!tpu.dma_semaphore, #tpu.memory_space<semaphore_mem>>)
    %add3A_135 = arith.constant 128 : i32
    %add3A_136 = arith.addi %add3A_135, %add3A : i32
    %mul3A_137 = arith.constant 320 : i32
    %mul3A_138 = arith.muli %add3A_136, %mul3A_137 : i32
    %dma_wait3A_139 = arith.constant 0 : i32
    %dma_wait3A_140 = tpu.memref_slice %arg4[%mul3A_138, %dma_wait3A_139] : memref<102400x128xf32, #tpu.memory_space<hbm>> -> memref<320x128xf32, #tpu.memory_space<hbm>>
    %dma_wait3A_141 = arith.constant 0 : i32
    %dma_wait3A_142 = tpu.memref_slice %arg4[%mul3A_138, %dma_wait3A_141] : memref<102400x128xf32, #tpu.memory_space<hbm>> -> memref<320x128xf32, #tpu.memory_space<hbm>>
    tpu.wait_dma2 semaphore(%arg15 : memref<!tpu.dma_semaphore, #tpu.memory_space<semaphore_mem>>) src(%arg9 : memref<320x128xf32, #tpu.memory_space<vmem>>) dst(%dma_wait3A_142 : memref<320x128xf32, #tpu.memory_space<hbm>>)
    %add3A_143 = arith.constant 224 : i32
    %add3A_144 = arith.addi %add3A_143, %add3A : i32
    %mul3A_145 = arith.constant 320 : i32
    %mul3A_146 = arith.muli %add3A_144, %mul3A_145 : i32
    "tpu.region"() ({
      %run_scoped3A = tpu.sem_alloc : memref<!tpu.dma_semaphore, #tpu.memory_space<semaphore_mem>>
      %dma_start3A_259 = tpu.memref_slice %arg3[%mul3A_146] : memref<102400xi32, #tpu.memory_space<hbm>> -> memref<320xi32, #tpu.memory_space<hbm>>
      %dma_start3A_260 = tpu.memref_slice %arg3[%mul3A_146] : memref<102400xi32, #tpu.memory_space<hbm>> -> memref<320xi32, #tpu.memory_space<hbm>>
      tpu.enqueue_dma source(%dma_start3A_260 : memref<320xi32, #tpu.memory_space<hbm>>) target(%arg6 : memref<320xi32, #tpu.memory_space<vmem>>) target_semaphore(%run_scoped3A : memref<!tpu.dma_semaphore, #tpu.memory_space<semaphore_mem>>)
      %dma_wait3A_261 = tpu.memref_slice %arg3[%mul3A_146] : memref<102400xi32, #tpu.memory_space<hbm>> -> memref<320xi32, #tpu.memory_space<hbm>>
      %dma_wait3A_262 = tpu.memref_slice %arg3[%mul3A_146] : memref<102400xi32, #tpu.memory_space<hbm>> -> memref<320xi32, #tpu.memory_space<hbm>>
      tpu.wait_dma2 semaphore(%run_scoped3A : memref<!tpu.dma_semaphore, #tpu.memory_space<semaphore_mem>>) src(%dma_wait3A_262 : memref<320xi32, #tpu.memory_space<hbm>>) dst(%arg6 : memref<320xi32, #tpu.memory_space<vmem>>)
      tpu.yield
    }) : () -> ()
    %dma_start3A_147 = arith.constant 0 : i32
    %dma_start3A_148 = arith.constant 0 : i32
    %dma_start3A_149 = tpu.memref_slice %arg2[%dma_start3A_147, %dma_start3A_148] : memref<507904x128xf32, #tpu.memory_space<hbm>> -> memref<507904x128xf32, #tpu.memory_space<hbm>>
    tpu.enqueue_indirect_dma source(%dma_start3A_149 : memref<507904x128xf32, #tpu.memory_space<hbm>>) target(%arg9 : memref<320x128xf32, #tpu.memory_space<vmem>>) offsets(%arg6 : memref<320xi32, #tpu.memory_space<vmem>>) semaphore(%arg12 : memref<!tpu.dma_semaphore, #tpu.memory_space<semaphore_mem>>)
    %dma_wait3A_150 = arith.constant 0 : i32
    %dma_wait3A_151 = arith.constant 0 : i32
    %dma_wait3A_152 = tpu.memref_slice %arg2[%dma_wait3A_150, %dma_wait3A_151] : memref<507904x128xf32, #tpu.memory_space<hbm>> -> memref<507904x128xf32, #tpu.memory_space<hbm>>
    tpu.wait_indirect_dma semaphore(%arg13 : memref<!tpu.dma_semaphore, #tpu.memory_space<semaphore_mem>>) src(%dma_wait3A_152 : memref<507904x128xf32, #tpu.memory_space<hbm>>) dst(%arg10 : memref<320x128xf32, #tpu.memory_space<vmem>>)
    %add3A_153 = arith.constant 160 : i32
    %add3A_154 = arith.addi %add3A_153, %add3A : i32
    %mul3A_155 = arith.constant 320 : i32
    %mul3A_156 = arith.muli %add3A_154, %mul3A_155 : i32
    %dma_start3A_157 = arith.constant 0 : i32
    %dma_start3A_158 = tpu.memref_slice %arg4[%mul3A_156, %dma_start3A_157] : memref<102400x128xf32, #tpu.memory_space<hbm>> -> memref<320x128xf32, #tpu.memory_space<hbm>>
    %dma_start3A_159 = arith.constant 0 : i32
    %dma_start3A_160 = tpu.memref_slice %arg4[%mul3A_156, %dma_start3A_159] : memref<102400x128xf32, #tpu.memory_space<hbm>> -> memref<320x128xf32, #tpu.memory_space<hbm>>
    tpu.enqueue_dma source(%arg10 : memref<320x128xf32, #tpu.memory_space<vmem>>) target(%dma_start3A_160 : memref<320x128xf32, #tpu.memory_space<hbm>>) target_semaphore(%arg16 : memref<!tpu.dma_semaphore, #tpu.memory_space<semaphore_mem>>)
    %add3A_161 = arith.constant 160 : i32
    %add3A_162 = arith.addi %add3A_161, %add3A : i32
    %mul3A_163 = arith.constant 320 : i32
    %mul3A_164 = arith.muli %add3A_162, %mul3A_163 : i32
    %dma_wait3A_165 = arith.constant 0 : i32
    %dma_wait3A_166 = tpu.memref_slice %arg4[%mul3A_164, %dma_wait3A_165] : memref<102400x128xf32, #tpu.memory_space<hbm>> -> memref<320x128xf32, #tpu.memory_space<hbm>>
    %dma_wait3A_167 = arith.constant 0 : i32
    %dma_wait3A_168 = tpu.memref_slice %arg4[%mul3A_164, %dma_wait3A_167] : memref<102400x128xf32, #tpu.memory_space<hbm>> -> memref<320x128xf32, #tpu.memory_space<hbm>>
    tpu.wait_dma2 semaphore(%arg16 : memref<!tpu.dma_semaphore, #tpu.memory_space<semaphore_mem>>) src(%arg10 : memref<320x128xf32, #tpu.memory_space<vmem>>) dst(%dma_wait3A_168 : memref<320x128xf32, #tpu.memory_space<hbm>>)
    %add3A_169 = arith.constant 256 : i32
    %add3A_170 = arith.addi %add3A_169, %add3A : i32
    %mul3A_171 = arith.constant 320 : i32
    %mul3A_172 = arith.muli %add3A_170, %mul3A_171 : i32
    "tpu.region"() ({
      %run_scoped3A = tpu.sem_alloc : memref<!tpu.dma_semaphore, #tpu.memory_space<semaphore_mem>>
      %dma_start3A_259 = tpu.memref_slice %arg3[%mul3A_172] : memref<102400xi32, #tpu.memory_space<hbm>> -> memref<320xi32, #tpu.memory_space<hbm>>
      %dma_start3A_260 = tpu.memref_slice %arg3[%mul3A_172] : memref<102400xi32, #tpu.memory_space<hbm>> -> memref<320xi32, #tpu.memory_space<hbm>>
      tpu.enqueue_dma source(%dma_start3A_260 : memref<320xi32, #tpu.memory_space<hbm>>) target(%arg7 : memref<320xi32, #tpu.memory_space<vmem>>) target_semaphore(%run_scoped3A : memref<!tpu.dma_semaphore, #tpu.memory_space<semaphore_mem>>)
      %dma_wait3A_261 = tpu.memref_slice %arg3[%mul3A_172] : memref<102400xi32, #tpu.memory_space<hbm>> -> memref<320xi32, #tpu.memory_space<hbm>>
      %dma_wait3A_262 = tpu.memref_slice %arg3[%mul3A_172] : memref<102400xi32, #tpu.memory_space<hbm>> -> memref<320xi32, #tpu.memory_space<hbm>>
      tpu.wait_dma2 semaphore(%run_scoped3A : memref<!tpu.dma_semaphore, #tpu.memory_space<semaphore_mem>>) src(%dma_wait3A_262 : memref<320xi32, #tpu.memory_space<hbm>>) dst(%arg7 : memref<320xi32, #tpu.memory_space<vmem>>)
      tpu.yield
    }) : () -> ()
    %dma_start3A_173 = arith.constant 0 : i32
    %dma_start3A_174 = arith.constant 0 : i32
    %dma_start3A_175 = tpu.memref_slice %arg2[%dma_start3A_173, %dma_start3A_174] : memref<507904x128xf32, #tpu.memory_space<hbm>> -> memref<507904x128xf32, #tpu.memory_space<hbm>>
    tpu.enqueue_indirect_dma source(%dma_start3A_175 : memref<507904x128xf32, #tpu.memory_space<hbm>>) target(%arg10 : memref<320x128xf32, #tpu.memory_space<vmem>>) offsets(%arg7 : memref<320xi32, #tpu.memory_space<vmem>>) semaphore(%arg13 : memref<!tpu.dma_semaphore, #tpu.memory_space<semaphore_mem>>)
    %dma_wait3A_176 = arith.constant 0 : i32
    %dma_wait3A_177 = arith.constant 0 : i32
    %dma_wait3A_178 = tpu.memref_slice %arg2[%dma_wait3A_176, %dma_wait3A_177] : memref<507904x128xf32, #tpu.memory_space<hbm>> -> memref<507904x128xf32, #tpu.memory_space<hbm>>
    tpu.wait_indirect_dma semaphore(%arg11 : memref<!tpu.dma_semaphore, #tpu.memory_space<semaphore_mem>>) src(%dma_wait3A_178 : memref<507904x128xf32, #tpu.memory_space<hbm>>) dst(%arg8 : memref<320x128xf32, #tpu.memory_space<vmem>>)
    %add3A_179 = arith.constant 192 : i32
    %add3A_180 = arith.addi %add3A_179, %add3A : i32
    %mul3A_181 = arith.constant 320 : i32
    %mul3A_182 = arith.muli %add3A_180, %mul3A_181 : i32
    %dma_start3A_183 = arith.constant 0 : i32
    %dma_start3A_184 = tpu.memref_slice %arg4[%mul3A_182, %dma_start3A_183] : memref<102400x128xf32, #tpu.memory_space<hbm>> -> memref<320x128xf32, #tpu.memory_space<hbm>>
    %dma_start3A_185 = arith.constant 0 : i32
    %dma_start3A_186 = tpu.memref_slice %arg4[%mul3A_182, %dma_start3A_185] : memref<102400x128xf32, #tpu.memory_space<hbm>> -> memref<320x128xf32, #tpu.memory_space<hbm>>
    tpu.enqueue_dma source(%arg8 : memref<320x128xf32, #tpu.memory_space<vmem>>) target(%dma_start3A_186 : memref<320x128xf32, #tpu.memory_space<hbm>>) target_semaphore(%arg14 : memref<!tpu.dma_semaphore, #tpu.memory_space<semaphore_mem>>)
    %add3A_187 = arith.constant 192 : i32
    %add3A_188 = arith.addi %add3A_187, %add3A : i32
    %mul3A_189 = arith.constant 320 : i32
    %mul3A_190 = arith.muli %add3A_188, %mul3A_189 : i32
    %dma_wait3A_191 = arith.constant 0 : i32
    %dma_wait3A_192 = tpu.memref_slice %arg4[%mul3A_190, %dma_wait3A_191] : memref<102400x128xf32, #tpu.memory_space<hbm>> -> memref<320x128xf32, #tpu.memory_space<hbm>>
    %dma_wait3A_193 = arith.constant 0 : i32
    %dma_wait3A_194 = tpu.memref_slice %arg4[%mul3A_190, %dma_wait3A_193] : memref<102400x128xf32, #tpu.memory_space<hbm>> -> memref<320x128xf32, #tpu.memory_space<hbm>>
    tpu.wait_dma2 semaphore(%arg14 : memref<!tpu.dma_semaphore, #tpu.memory_space<semaphore_mem>>) src(%arg8 : memref<320x128xf32, #tpu.memory_space<vmem>>) dst(%dma_wait3A_194 : memref<320x128xf32, #tpu.memory_space<hbm>>)
    %add3A_195 = arith.constant 288 : i32
    %add3A_196 = arith.addi %add3A_195, %add3A : i32
    %mul3A_197 = arith.constant 320 : i32
    %mul3A_198 = arith.muli %add3A_196, %mul3A_197 : i32
    "tpu.region"() ({
      %run_scoped3A = tpu.sem_alloc : memref<!tpu.dma_semaphore, #tpu.memory_space<semaphore_mem>>
      %dma_start3A_259 = tpu.memref_slice %arg3[%mul3A_198] : memref<102400xi32, #tpu.memory_space<hbm>> -> memref<320xi32, #tpu.memory_space<hbm>>
      %dma_start3A_260 = tpu.memref_slice %arg3[%mul3A_198] : memref<102400xi32, #tpu.memory_space<hbm>> -> memref<320xi32, #tpu.memory_space<hbm>>
      tpu.enqueue_dma source(%dma_start3A_260 : memref<320xi32, #tpu.memory_space<hbm>>) target(%arg5 : memref<320xi32, #tpu.memory_space<vmem>>) target_semaphore(%run_scoped3A : memref<!tpu.dma_semaphore, #tpu.memory_space<semaphore_mem>>)
      %dma_wait3A_261 = tpu.memref_slice %arg3[%mul3A_198] : memref<102400xi32, #tpu.memory_space<hbm>> -> memref<320xi32, #tpu.memory_space<hbm>>
      %dma_wait3A_262 = tpu.memref_slice %arg3[%mul3A_198] : memref<102400xi32, #tpu.memory_space<hbm>> -> memref<320xi32, #tpu.memory_space<hbm>>
      tpu.wait_dma2 semaphore(%run_scoped3A : memref<!tpu.dma_semaphore, #tpu.memory_space<semaphore_mem>>) src(%dma_wait3A_262 : memref<320xi32, #tpu.memory_space<hbm>>) dst(%arg5 : memref<320xi32, #tpu.memory_space<vmem>>)
      tpu.yield
    }) : () -> ()
    %dma_start3A_199 = arith.constant 0 : i32
    %dma_start3A_200 = arith.constant 0 : i32
    %dma_start3A_201 = tpu.memref_slice %arg2[%dma_start3A_199, %dma_start3A_200] : memref<507904x128xf32, #tpu.memory_space<hbm>> -> memref<507904x128xf32, #tpu.memory_space<hbm>>
    tpu.enqueue_indirect_dma source(%dma_start3A_201 : memref<507904x128xf32, #tpu.memory_space<hbm>>) target(%arg8 : memref<320x128xf32, #tpu.memory_space<vmem>>) offsets(%arg5 : memref<320xi32, #tpu.memory_space<vmem>>) semaphore(%arg11 : memref<!tpu.dma_semaphore, #tpu.memory_space<semaphore_mem>>)
    %dma_wait3A_202 = arith.constant 0 : i32
    %dma_wait3A_203 = arith.constant 0 : i32
    %dma_wait3A_204 = tpu.memref_slice %arg2[%dma_wait3A_202, %dma_wait3A_203] : memref<507904x128xf32, #tpu.memory_space<hbm>> -> memref<507904x128xf32, #tpu.memory_space<hbm>>
    tpu.wait_indirect_dma semaphore(%arg12 : memref<!tpu.dma_semaphore, #tpu.memory_space<semaphore_mem>>) src(%dma_wait3A_204 : memref<507904x128xf32, #tpu.memory_space<hbm>>) dst(%arg9 : memref<320x128xf32, #tpu.memory_space<vmem>>)
    %add3A_205 = arith.constant 224 : i32
    %add3A_206 = arith.addi %add3A_205, %add3A : i32
    %mul3A_207 = arith.constant 320 : i32
    %mul3A_208 = arith.muli %add3A_206, %mul3A_207 : i32
    %dma_start3A_209 = arith.constant 0 : i32
    %dma_start3A_210 = tpu.memref_slice %arg4[%mul3A_208, %dma_start3A_209] : memref<102400x128xf32, #tpu.memory_space<hbm>> -> memref<320x128xf32, #tpu.memory_space<hbm>>
    %dma_start3A_211 = arith.constant 0 : i32
    %dma_start3A_212 = tpu.memref_slice %arg4[%mul3A_208, %dma_start3A_211] : memref<102400x128xf32, #tpu.memory_space<hbm>> -> memref<320x128xf32, #tpu.memory_space<hbm>>
    tpu.enqueue_dma source(%arg9 : memref<320x128xf32, #tpu.memory_space<vmem>>) target(%dma_start3A_212 : memref<320x128xf32, #tpu.memory_space<hbm>>) target_semaphore(%arg15 : memref<!tpu.dma_semaphore, #tpu.memory_space<semaphore_mem>>)
    %dma_wait3A_213 = arith.constant 0 : i32
    %dma_wait3A_214 = arith.constant 0 : i32
    %dma_wait3A_215 = tpu.memref_slice %arg2[%dma_wait3A_213, %dma_wait3A_214] : memref<507904x128xf32, #tpu.memory_space<hbm>> -> memref<507904x128xf32, #tpu.memory_space<hbm>>
    tpu.wait_indirect_dma semaphore(%arg13 : memref<!tpu.dma_semaphore, #tpu.memory_space<semaphore_mem>>) src(%dma_wait3A_215 : memref<507904x128xf32, #tpu.memory_space<hbm>>) dst(%arg10 : memref<320x128xf32, #tpu.memory_space<vmem>>)
    %add3A_216 = arith.constant 256 : i32
    %add3A_217 = arith.addi %add3A_216, %add3A : i32
    %mul3A_218 = arith.constant 320 : i32
    %mul3A_219 = arith.muli %add3A_217, %mul3A_218 : i32
    %dma_start3A_220 = arith.constant 0 : i32
    %dma_start3A_221 = tpu.memref_slice %arg4[%mul3A_219, %dma_start3A_220] : memref<102400x128xf32, #tpu.memory_space<hbm>> -> memref<320x128xf32, #tpu.memory_space<hbm>>
    %dma_start3A_222 = arith.constant 0 : i32
    %dma_start3A_223 = tpu.memref_slice %arg4[%mul3A_219, %dma_start3A_222] : memref<102400x128xf32, #tpu.memory_space<hbm>> -> memref<320x128xf32, #tpu.memory_space<hbm>>
    tpu.enqueue_dma source(%arg10 : memref<320x128xf32, #tpu.memory_space<vmem>>) target(%dma_start3A_223 : memref<320x128xf32, #tpu.memory_space<hbm>>) target_semaphore(%arg16 : memref<!tpu.dma_semaphore, #tpu.memory_space<semaphore_mem>>)
    %dma_wait3A_224 = arith.constant 0 : i32
    %dma_wait3A_225 = arith.constant 0 : i32
    %dma_wait3A_226 = tpu.memref_slice %arg2[%dma_wait3A_224, %dma_wait3A_225] : memref<507904x128xf32, #tpu.memory_space<hbm>> -> memref<507904x128xf32, #tpu.memory_space<hbm>>
    tpu.wait_indirect_dma semaphore(%arg11 : memref<!tpu.dma_semaphore, #tpu.memory_space<semaphore_mem>>) src(%dma_wait3A_226 : memref<507904x128xf32, #tpu.memory_space<hbm>>) dst(%arg8 : memref<320x128xf32, #tpu.memory_space<vmem>>)
    %add3A_227 = arith.constant 288 : i32
    %add3A_228 = arith.addi %add3A_227, %add3A : i32
    %mul3A_229 = arith.constant 320 : i32
    %mul3A_230 = arith.muli %add3A_228, %mul3A_229 : i32
    %dma_start3A_231 = arith.constant 0 : i32
    %dma_start3A_232 = tpu.memref_slice %arg4[%mul3A_230, %dma_start3A_231] : memref<102400x128xf32, #tpu.memory_space<hbm>> -> memref<320x128xf32, #tpu.memory_space<hbm>>
    %dma_start3A_233 = arith.constant 0 : i32
    %dma_start3A_234 = tpu.memref_slice %arg4[%mul3A_230, %dma_start3A_233] : memref<102400x128xf32, #tpu.memory_space<hbm>> -> memref<320x128xf32, #tpu.memory_space<hbm>>
    tpu.enqueue_dma source(%arg8 : memref<320x128xf32, #tpu.memory_space<vmem>>) target(%dma_start3A_234 : memref<320x128xf32, #tpu.memory_space<hbm>>) target_semaphore(%arg14 : memref<!tpu.dma_semaphore, #tpu.memory_space<semaphore_mem>>)
    %add3A_235 = arith.constant 224 : i32
    %add3A_236 = arith.addi %add3A_235, %add3A : i32
    %mul3A_237 = arith.constant 320 : i32
    %mul3A_238 = arith.muli %add3A_236, %mul3A_237 : i32
    %dma_wait3A_239 = arith.constant 0 : i32
    %dma_wait3A_240 = tpu.memref_slice %arg4[%mul3A_238, %dma_wait3A_239] : memref<102400x128xf32, #tpu.memory_space<hbm>> -> memref<320x128xf32, #tpu.memory_space<hbm>>
    %dma_wait3A_241 = arith.constant 0 : i32
    %dma_wait3A_242 = tpu.memref_slice %arg4[%mul3A_238, %dma_wait3A_241] : memref<102400x128xf32, #tpu.memory_space<hbm>> -> memref<320x128xf32, #tpu.memory_space<hbm>>
    tpu.wait_dma2 semaphore(%arg15 : memref<!tpu.dma_semaphore, #tpu.memory_space<semaphore_mem>>) src(%arg9 : memref<320x128xf32, #tpu.memory_space<vmem>>) dst(%dma_wait3A_242 : memref<320x128xf32, #tpu.memory_space<hbm>>)
    %add3A_243 = arith.constant 256 : i32
    %add3A_244 = arith.addi %add3A_243, %add3A : i32
    %mul3A_245 = arith.constant 320 : i32
    %mul3A_246 = arith.muli %add3A_244, %mul3A_245 : i32
    %dma_wait3A_247 = arith.constant 0 : i32
    %dma_wait3A_248 = tpu.memref_slice %arg4[%mul3A_246, %dma_wait3A_247] : memref<102400x128xf32, #tpu.memory_space<hbm>> -> memref<320x128xf32, #tpu.memory_space<hbm>>
    %dma_wait3A_249 = arith.constant 0 : i32
    %dma_wait3A_250 = tpu.memref_slice %arg4[%mul3A_246, %dma_wait3A_249] : memref<102400x128xf32, #tpu.memory_space<hbm>> -> memref<320x128xf32, #tpu.memory_space<hbm>>
    tpu.wait_dma2 semaphore(%arg16 : memref<!tpu.dma_semaphore, #tpu.memory_space<semaphore_mem>>) src(%arg10 : memref<320x128xf32, #tpu.memory_space<vmem>>) dst(%dma_wait3A_250 : memref<320x128xf32, #tpu.memory_space<hbm>>)
    %add3A_251 = arith.constant 288 : i32
    %add3A_252 = arith.addi %add3A_251, %add3A : i32
    %mul3A_253 = arith.constant 320 : i32
    %mul3A_254 = arith.muli %add3A_252, %mul3A_253 : i32
    %dma_wait3A_255 = arith.constant 0 : i32
    %dma_wait3A_256 = tpu.memref_slice %arg4[%mul3A_254, %dma_wait3A_255] : memref<102400x128xf32, #tpu.memory_space<hbm>> -> memref<320x128xf32, #tpu.memory_space<hbm>>
    %dma_wait3A_257 = arith.constant 0 : i32
    %dma_wait3A_258 = tpu.memref_slice %arg4[%mul3A_254, %dma_wait3A_257] : memref<102400x128xf32, #tpu.memory_space<hbm>> -> memref<320x128xf32, #tpu.memory_space<hbm>>
    tpu.wait_dma2 semaphore(%arg14 : memref<!tpu.dma_semaphore, #tpu.memory_space<semaphore_mem>>) src(%arg8 : memref<320x128xf32, #tpu.memory_space<vmem>>) dst(%dma_wait3A_258 : memref<320x128xf32, #tpu.memory_space<hbm>>)
    return
  }
}

#map = affine_map<(d0, d1) -> (0, 0)>
#map1 = affine_map<(d0, d1) -> (0)>
module attributes {stable_mosaic.version = 14 : i64} {
  func.func @k(%arg0: i32, %arg1: i32, %arg2: memref<507904x128xf32, #tpu.memory_space<hbm>>, %arg3: memref<102400xi32, #tpu.memory_space<hbm>>, %arg4: memref<102400x128xf32, #tpu.memory_space<hbm>>, %arg5: memref<320xi32, #tpu.memory_space<vmem>>, %arg6: memref<320xi32, #tpu.memory_space<vmem>>, %arg7: memref<320xi32, #tpu.memory_space<vmem>>, %arg8: memref<320x128xf32, #tpu.memory_space<vmem>>, %arg9: memref<320x128xf32, #tpu.memory_space<vmem>>, %arg10: memref<320x128xf32, #tpu.memory_space<vmem>>, %arg11: memref<!tpu.dma_semaphore, #tpu.memory_space<semaphore_mem>>, %arg12: memref<!tpu.dma_semaphore, #tpu.memory_space<semaphore_mem>>, %arg13: memref<!tpu.dma_semaphore, #tpu.memory_space<semaphore_mem>>, %arg14: memref<!tpu.dma_semaphore, #tpu.memory_space<semaphore_mem>>, %arg15: memref<!tpu.dma_semaphore, #tpu.memory_space<semaphore_mem>>, %arg16: memref<!tpu.dma_semaphore, #tpu.memory_space<semaphore_mem>>) attributes {dimension_semantics = [#tpu.dimension_semantics<core_parallel>, #tpu.dimension_semantics<subcore_parallel>], iteration_bounds = array<i64: 2, 16>, scalar_prefetch = 0 : i64, scratch_operands = 12 : i64, tpu.core_type = #tpu.core_type<sc_vector_subcore>, window_params = [{transform_indices = #map}, {transform_indices = #map1}, {transform_indices = #map}]} {
    %mul3A = arith.constant 16 : i32
    %mul3A_0 = arith.muli %arg0, %mul3A : i32
    %add3A = arith.addi %mul3A_0, %arg1 : i32
    %add3A_1 = arith.constant 0 : i32
    %add3A_2 = arith.addi %add3A_1, %add3A : i32
    %mul3A_3 = arith.constant 320 : i32
    %mul3A_4 = arith.muli %add3A_2, %mul3A_3 : i32
    "tpu.region"() ({
      %run_scoped3A = tpu.sem_alloc : memref<!tpu.dma_semaphore, #tpu.memory_space<semaphore_mem>>
      %dma_start3A_259 = tpu.memref_slice %arg3[%mul3A_4] : memref<102400xi32, #tpu.memory_space<hbm>> -> memref<320xi32, #tpu.memory_space<hbm>>
      %dma_start3A_260 = tpu.memref_slice %arg3[%mul3A_4] : memref<102400xi32, #tpu.memory_space<hbm>> -> memref<320xi32, #tpu.memory_space<hbm>>
      tpu.enqueue_dma source(%dma_start3A_260 : memref<320xi32, #tpu.memory_space<hbm>>) target(%arg5 : memref<320xi32, #tpu.memory_space<vmem>>) target_semaphore(%run_scoped3A : memref<!tpu.dma_semaphore, #tpu.memory_space<semaphore_mem>>)
      %dma_wait3A_261 = tpu.memref_slice %arg3[%mul3A_4] : memref<102400xi32, #tpu.memory_space<hbm>> -> memref<320xi32, #tpu.memory_space<hbm>>
      %dma_wait3A_262 = tpu.memref_slice %arg3[%mul3A_4] : memref<102400xi32, #tpu.memory_space<hbm>> -> memref<320xi32, #tpu.memory_space<hbm>>
      tpu.wait_dma2 semaphore(%run_scoped3A : memref<!tpu.dma_semaphore, #tpu.memory_space<semaphore_mem>>) src(%dma_wait3A_262 : memref<320xi32, #tpu.memory_space<hbm>>) dst(%arg5 : memref<320xi32, #tpu.memory_space<vmem>>)
      tpu.yield
    }) : () -> ()
    %dma_start3A = arith.constant 0 : i32
    %dma_start3A_5 = arith.constant 0 : i32
    %dma_start3A_6 = tpu.memref_slice %arg2[%dma_start3A, %dma_start3A_5] : memref<507904x128xf32, #tpu.memory_space<hbm>> -> memref<507904x128xf32, #tpu.memory_space<hbm>>
    tpu.enqueue_indirect_dma source(%dma_start3A_6 : memref<507904x128xf32, #tpu.memory_space<hbm>>) target(%arg8 : memref<320x128xf32, #tpu.memory_space<vmem>>) offsets(%arg5 : memref<320xi32, #tpu.memory_space<vmem>>) semaphore(%arg11 : memref<!tpu.dma_semaphore, #tpu.memory_space<semaphore_mem>>)
    %add3A_7 = arith.constant 32 : i32
    %add3A_8 = arith.addi %add3A_7, %add3A : i32
    %mul3A_9 = arith.constant 320 : i32
    %mul3A_10 = arith.muli %add3A_8, %mul3A_9 : i32
    "tpu.region"() ({
      %run_scoped3A = tpu.sem_alloc : memref<!tpu.dma_semaphore, #tpu.memory_space<semaphore_mem>>
      %dma_start3A_259 = tpu.memref_slice %arg3[%mul3A_10] : memref<102400xi32, #tpu.memory_space<hbm>> -> memref<320xi32, #tpu.memory_space<hbm>>
      %dma_start3A_260 = tpu.memref_slice %arg3[%mul3A_10] : memref<102400xi32, #tpu.memory_space<hbm>> -> memref<320xi32, #tpu.memory_space<hbm>>
      tpu.enqueue_dma source(%dma_start3A_260 : memref<320xi32, #tpu.memory_space<hbm>>) target(%arg6 : memref<320xi32, #tpu.memory_space<vmem>>) target_semaphore(%run_scoped3A : memref<!tpu.dma_semaphore, #tpu.memory_space<semaphore_mem>>)
      %dma_wait3A_261 = tpu.memref_slice %arg3[%mul3A_10] : memref<102400xi32, #tpu.memory_space<hbm>> -> memref<320xi32, #tpu.memory_space<hbm>>
      %dma_wait3A_262 = tpu.memref_slice %arg3[%mul3A_10] : memref<102400xi32, #tpu.memory_space<hbm>> -> memref<320xi32, #tpu.memory_space<hbm>>
      tpu.wait_dma2 semaphore(%run_scoped3A : memref<!tpu.dma_semaphore, #tpu.memory_space<semaphore_mem>>) src(%dma_wait3A_262 : memref<320xi32, #tpu.memory_space<hbm>>) dst(%arg6 : memref<320xi32, #tpu.memory_space<vmem>>)
      tpu.yield
    }) : () -> ()
    %dma_start3A_11 = arith.constant 0 : i32
    %dma_start3A_12 = arith.constant 0 : i32
    %dma_start3A_13 = tpu.memref_slice %arg2[%dma_start3A_11, %dma_start3A_12] : memref<507904x128xf32, #tpu.memory_space<hbm>> -> memref<507904x128xf32, #tpu.memory_space<hbm>>
    tpu.enqueue_indirect_dma source(%dma_start3A_13 : memref<507904x128xf32, #tpu.memory_space<hbm>>) target(%arg9 : memref<320x128xf32, #tpu.memory_space<vmem>>) offsets(%arg6 : memref<320xi32, #tpu.memory_space<vmem>>) semaphore(%arg12 : memref<!tpu.dma_semaphore, #tpu.memory_space<semaphore_mem>>)
    %add3A_14 = arith.constant 64 : i32
    %add3A_15 = arith.addi %add3A_14, %add3A : i32
    %mul3A_16 = arith.constant 320 : i32
    %mul3A_17 = arith.muli %add3A_15, %mul3A_16 : i32
    "tpu.region"() ({
      %run_scoped3A = tpu.sem_alloc : memref<!tpu.dma_semaphore, #tpu.memory_space<semaphore_mem>>
      %dma_start3A_259 = tpu.memref_slice %arg3[%mul3A_17] : memref<102400xi32, #tpu.memory_space<hbm>> -> memref<320xi32, #tpu.memory_space<hbm>>
      %dma_start3A_260 = tpu.memref_slice %arg3[%mul3A_17] : memref<102400xi32, #tpu.memory_space<hbm>> -> memref<320xi32, #tpu.memory_space<hbm>>
      tpu.enqueue_dma source(%dma_start3A_260 : memref<320xi32, #tpu.memory_space<hbm>>) target(%arg7 : memref<320xi32, #tpu.memory_space<vmem>>) target_semaphore(%run_scoped3A : memref<!tpu.dma_semaphore, #tpu.memory_space<semaphore_mem>>)
      %dma_wait3A_261 = tpu.memref_slice %arg3[%mul3A_17] : memref<102400xi32, #tpu.memory_space<hbm>> -> memref<320xi32, #tpu.memory_space<hbm>>
      %dma_wait3A_262 = tpu.memref_slice %arg3[%mul3A_17] : memref<102400xi32, #tpu.memory_space<hbm>> -> memref<320xi32, #tpu.memory_space<hbm>>
      tpu.wait_dma2 semaphore(%run_scoped3A : memref<!tpu.dma_semaphore, #tpu.memory_space<semaphore_mem>>) src(%dma_wait3A_262 : memref<320xi32, #tpu.memory_space<hbm>>) dst(%arg7 : memref<320xi32, #tpu.memory_space<vmem>>)
      tpu.yield
    }) : () -> ()
    %dma_start3A_18 = arith.constant 0 : i32
    %dma_start3A_19 = arith.constant 0 : i32
    %dma_start3A_20 = tpu.memref_slice %arg2[%dma_start3A_18, %dma_start3A_19] : memref<507904x128xf32, #tpu.memory_space<hbm>> -> memref<507904x128xf32, #tpu.memory_space<hbm>>
    tpu.enqueue_indirect_dma source(%dma_start3A_20 : memref<507904x128xf32, #tpu.memory_space<hbm>>) target(%arg10 : memref<320x128xf32, #tpu.memory_space<vmem>>) offsets(%arg7 : memref<320xi32, #tpu.memory_space<vmem>>) semaphore(%arg13 : memref<!tpu.dma_semaphore, #tpu.memory_space<semaphore_mem>>)
    %dma_wait3A = arith.constant 0 : i32
    %dma_wait3A_21 = arith.constant 0 : i32
    %dma_wait3A_22 = tpu.memref_slice %arg2[%dma_wait3A, %dma_wait3A_21] : memref<507904x128xf32, #tpu.memory_space<hbm>> -> memref<507904x128xf32, #tpu.memory_space<hbm>>
    tpu.wait_indirect_dma semaphore(%arg11 : memref<!tpu.dma_semaphore, #tpu.memory_space<semaphore_mem>>) src(%dma_wait3A_22 : memref<507904x128xf32, #tpu.memory_space<hbm>>) dst(%arg8 : memref<320x128xf32, #tpu.memory_space<vmem>>)
    %add3A_23 = arith.constant 0 : i32
    %add3A_24 = arith.addi %add3A_23, %add3A : i32
    %mul3A_25 = arith.constant 320 : i32
    %mul3A_26 = arith.muli %add3A_24, %mul3A_25 : i32
    %dma_start3A_27 = arith.constant 0 : i32
    %dma_start3A_28 = tpu.memref_slice %arg4[%mul3A_26, %dma_start3A_27] : memref<102400x128xf32, #tpu.memory_space<hbm>> -> memref<320x128xf32, #tpu.memory_space<hbm>>
    %dma_start3A_29 = arith.constant 0 : i32
    %dma_start3A_30 = tpu.memref_slice %arg4[%mul3A_26, %dma_start3A_29] : memref<102400x128xf32, #tpu.memory_space<hbm>> -> memref<320x128xf32, #tpu.memory_space<hbm>>
    tpu.enqueue_dma source(%arg8 : memref<320x128xf32, #tpu.memory_space<vmem>>) target(%dma_start3A_30 : memref<320x128xf32, #tpu.memory_space<hbm>>) target_semaphore(%arg14 : memref<!tpu.dma_semaphore, #tpu.memory_space<semaphore_mem>>)
    %add3A_31 = arith.constant 0 : i32
    %add3A_32 = arith.addi %add3A_31, %add3A : i32
    %mul3A_33 = arith.constant 320 : i32
    %mul3A_34 = arith.muli %add3A_32, %mul3A_33 : i32
    %dma_wait3A_35 = arith.constant 0 : i32
    %dma_wait3A_36 = tpu.memref_slice %arg4[%mul3A_34, %dma_wait3A_35] : memref<102400x128xf32, #tpu.memory_space<hbm>> -> memref<320x128xf32, #tpu.memory_space<hbm>>
    %dma_wait3A_37 = arith.constant 0 : i32
    %dma_wait3A_38 = tpu.memref_slice %arg4[%mul3A_34, %dma_wait3A_37] : memref<102400x128xf32, #tpu.memory_space<hbm>> -> memref<320x128xf32, #tpu.memory_space<hbm>>
    tpu.wait_dma2 semaphore(%arg14 : memref<!tpu.dma_semaphore, #tpu.memory_space<semaphore_mem>>) src(%arg8 : memref<320x128xf32, #tpu.memory_space<vmem>>) dst(%dma_wait3A_38 : memref<320x128xf32, #tpu.memory_space<hbm>>)
    %add3A_39 = arith.constant 96 : i32
    %add3A_40 = arith.addi %add3A_39, %add3A : i32
    %mul3A_41 = arith.constant 320 : i32
    %mul3A_42 = arith.muli %add3A_40, %mul3A_41 : i32
    "tpu.region"() ({
      %run_scoped3A = tpu.sem_alloc : memref<!tpu.dma_semaphore, #tpu.memory_space<semaphore_mem>>
      %dma_start3A_259 = tpu.memref_slice %arg3[%mul3A_42] : memref<102400xi32, #tpu.memory_space<hbm>> -> memref<320xi32, #tpu.memory_space<hbm>>
      %dma_start3A_260 = tpu.memref_slice %arg3[%mul3A_42] : memref<102400xi32, #tpu.memory_space<hbm>> -> memref<320xi32, #tpu.memory_space<hbm>>
      tpu.enqueue_dma source(%dma_start3A_260 : memref<320xi32, #tpu.memory_space<hbm>>) target(%arg5 : memref<320xi32, #tpu.memory_space<vmem>>) target_semaphore(%run_scoped3A : memref<!tpu.dma_semaphore, #tpu.memory_space<semaphore_mem>>)
      %dma_wait3A_261 = tpu.memref_slice %arg3[%mul3A_42] : memref<102400xi32, #tpu.memory_space<hbm>> -> memref<320xi32, #tpu.memory_space<hbm>>
      %dma_wait3A_262 = tpu.memref_slice %arg3[%mul3A_42] : memref<102400xi32, #tpu.memory_space<hbm>> -> memref<320xi32, #tpu.memory_space<hbm>>
      tpu.wait_dma2 semaphore(%run_scoped3A : memref<!tpu.dma_semaphore, #tpu.memory_space<semaphore_mem>>) src(%dma_wait3A_262 : memref<320xi32, #tpu.memory_space<hbm>>) dst(%arg5 : memref<320xi32, #tpu.memory_space<vmem>>)
      tpu.yield
    }) : () -> ()
    %dma_start3A_43 = arith.constant 0 : i32
    %dma_start3A_44 = arith.constant 0 : i32
    %dma_start3A_45 = tpu.memref_slice %arg2[%dma_start3A_43, %dma_start3A_44] : memref<507904x128xf32, #tpu.memory_space<hbm>> -> memref<507904x128xf32, #tpu.memory_space<hbm>>
    tpu.enqueue_indirect_dma source(%dma_start3A_45 : memref<507904x128xf32, #tpu.memory_space<hbm>>) target(%arg8 : memref<320x128xf32, #tpu.memory_space<vmem>>) offsets(%arg5 : memref<320xi32, #tpu.memory_space<vmem>>) semaphore(%arg11 : memref<!tpu.dma_semaphore, #tpu.memory_space<semaphore_mem>>)
    %dma_wait3A_46 = arith.constant 0 : i32
    %dma_wait3A_47 = arith.constant 0 : i32
    %dma_wait3A_48 = tpu.memref_slice %arg2[%dma_wait3A_46, %dma_wait3A_47] : memref<507904x128xf32, #tpu.memory_space<hbm>> -> memref<507904x128xf32, #tpu.memory_space<hbm>>
    tpu.wait_indirect_dma semaphore(%arg12 : memref<!tpu.dma_semaphore, #tpu.memory_space<semaphore_mem>>) src(%dma_wait3A_48 : memref<507904x128xf32, #tpu.memory_space<hbm>>) dst(%arg9 : memref<320x128xf32, #tpu.memory_space<vmem>>)
    %add3A_49 = arith.constant 32 : i32
    %add3A_50 = arith.addi %add3A_49, %add3A : i32
    %mul3A_51 = arith.constant 320 : i32
    %mul3A_52 = arith.muli %add3A_50, %mul3A_51 : i32
    %dma_start3A_53 = arith.constant 0 : i32
    %dma_start3A_54 = tpu.memref_slice %arg4[%mul3A_52, %dma_start3A_53] : memref<102400x128xf32, #tpu.memory_space<hbm>> -> memref<320x128xf32, #tpu.memory_space<hbm>>
    %dma_start3A_55 = arith.constant 0 : i32
    %dma_start3A_56 = tpu.memref_slice %arg4[%mul3A_52, %dma_start3A_55] : memref<102400x128xf32, #tpu.memory_space<hbm>> -> memref<320x128xf32, #tpu.memory_space<hbm>>
    tpu.enqueue_dma source(%arg9 : memref<320x128xf32, #tpu.memory_space<vmem>>) target(%dma_start3A_56 : memref<320x128xf32, #tpu.memory_space<hbm>>) target_semaphore(%arg15 : memref<!tpu.dma_semaphore, #tpu.memory_space<semaphore_mem>>)
    %add3A_57 = arith.constant 32 : i32
    %add3A_58 = arith.addi %add3A_57, %add3A : i32
    %mul3A_59 = arith.constant 320 : i32
    %mul3A_60 = arith.muli %add3A_58, %mul3A_59 : i32
    %dma_wait3A_61 = arith.constant 0 : i32
    %dma_wait3A_62 = tpu.memref_slice %arg4[%mul3A_60, %dma_wait3A_61] : memref<102400x128xf32, #tpu.memory_space<hbm>> -> memref<320x128xf32, #tpu.memory_space<hbm>>
    %dma_wait3A_63 = arith.constant 0 : i32
    %dma_wait3A_64 = tpu.memref_slice %arg4[%mul3A_60, %dma_wait3A_63] : memref<102400x128xf32, #tpu.memory_space<hbm>> -> memref<320x128xf32, #tpu.memory_space<hbm>>
    tpu.wait_dma2 semaphore(%arg15 : memref<!tpu.dma_semaphore, #tpu.memory_space<semaphore_mem>>) src(%arg9 : memref<320x128xf32, #tpu.memory_space<vmem>>) dst(%dma_wait3A_64 : memref<320x128xf32, #tpu.memory_space<hbm>>)
    %add3A_65 = arith.constant 128 : i32
    %add3A_66 = arith.addi %add3A_65, %add3A : i32
    %mul3A_67 = arith.constant 320 : i32
    %mul3A_68 = arith.muli %add3A_66, %mul3A_67 : i32
    "tpu.region"() ({
      %run_scoped3A = tpu.sem_alloc : memref<!tpu.dma_semaphore, #tpu.memory_space<semaphore_mem>>
      %dma_start3A_259 = tpu.memref_slice %arg3[%mul3A_68] : memref<102400xi32, #tpu.memory_space<hbm>> -> memref<320xi32, #tpu.memory_space<hbm>>
      %dma_start3A_260 = tpu.memref_slice %arg3[%mul3A_68] : memref<102400xi32, #tpu.memory_space<hbm>> -> memref<320xi32, #tpu.memory_space<hbm>>
      tpu.enqueue_dma source(%dma_start3A_260 : memref<320xi32, #tpu.memory_space<hbm>>) target(%arg6 : memref<320xi32, #tpu.memory_space<vmem>>) target_semaphore(%run_scoped3A : memref<!tpu.dma_semaphore, #tpu.memory_space<semaphore_mem>>)
      %dma_wait3A_261 = tpu.memref_slice %arg3[%mul3A_68] : memref<102400xi32, #tpu.memory_space<hbm>> -> memref<320xi32, #tpu.memory_space<hbm>>
      %dma_wait3A_262 = tpu.memref_slice %arg3[%mul3A_68] : memref<102400xi32, #tpu.memory_space<hbm>> -> memref<320xi32, #tpu.memory_space<hbm>>
      tpu.wait_dma2 semaphore(%run_scoped3A : memref<!tpu.dma_semaphore, #tpu.memory_space<semaphore_mem>>) src(%dma_wait3A_262 : memref<320xi32, #tpu.memory_space<hbm>>) dst(%arg6 : memref<320xi32, #tpu.memory_space<vmem>>)
      tpu.yield
    }) : () -> ()
    %dma_start3A_69 = arith.constant 0 : i32
    %dma_start3A_70 = arith.constant 0 : i32
    %dma_start3A_71 = tpu.memref_slice %arg2[%dma_start3A_69, %dma_start3A_70] : memref<507904x128xf32, #tpu.memory_space<hbm>> -> memref<507904x128xf32, #tpu.memory_space<hbm>>
    tpu.enqueue_indirect_dma source(%dma_start3A_71 : memref<507904x128xf32, #tpu.memory_space<hbm>>) target(%arg9 : memref<320x128xf32, #tpu.memory_space<vmem>>) offsets(%arg6 : memref<320xi32, #tpu.memory_space<vmem>>) semaphore(%arg12 : memref<!tpu.dma_semaphore, #tpu.memory_space<semaphore_mem>>)
    %dma_wait3A_72 = arith.constant 0 : i32
    %dma_wait3A_73 = arith.constant 0 : i32
    %dma_wait3A_74 = tpu.memref_slice %arg2[%dma_wait3A_72, %dma_wait3A_73] : memref<507904x128xf32, #tpu.memory_space<hbm>> -> memref<507904x128xf32, #tpu.memory_space<hbm>>
    tpu.wait_indirect_dma semaphore(%arg13 : memref<!tpu.dma_semaphore, #tpu.memory_space<semaphore_mem>>) src(%dma_wait3A_74 : memref<507904x128xf32, #tpu.memory_space<hbm>>) dst(%arg10 : memref<320x128xf32, #tpu.memory_space<vmem>>)
    %add3A_75 = arith.constant 64 : i32
    %add3A_76 = arith.addi %add3A_75, %add3A : i32
    %mul3A_77 = arith.constant 320 : i32
    %mul3A_78 = arith.muli %add3A_76, %mul3A_77 : i32
    %dma_start3A_79 = arith.constant 0 : i32
    %dma_start3A_80 = tpu.memref_slice %arg4[%mul3A_78, %dma_start3A_79] : memref<102400x128xf32, #tpu.memory_space<hbm>> -> memref<320x128xf32, #tpu.memory_space<hbm>>
    %dma_start3A_81 = arith.constant 0 : i32
    %dma_start3A_82 = tpu.memref_slice %arg4[%mul3A_78, %dma_start3A_81] : memref<102400x128xf32, #tpu.memory_space<hbm>> -> memref<320x128xf32, #tpu.memory_space<hbm>>
    tpu.enqueue_dma source(%arg10 : memref<320x128xf32, #tpu.memory_space<vmem>>) target(%dma_start3A_82 : memref<320x128xf32, #tpu.memory_space<hbm>>) target_semaphore(%arg16 : memref<!tpu.dma_semaphore, #tpu.memory_space<semaphore_mem>>)
    %add3A_83 = arith.constant 64 : i32
    %add3A_84 = arith.addi %add3A_83, %add3A : i32
    %mul3A_85 = arith.constant 320 : i32
    %mul3A_86 = arith.muli %add3A_84, %mul3A_85 : i32
    %dma_wait3A_87 = arith.constant 0 : i32
    %dma_wait3A_88 = tpu.memref_slice %arg4[%mul3A_86, %dma_wait3A_87] : memref<102400x128xf32, #tpu.memory_space<hbm>> -> memref<320x128xf32, #tpu.memory_space<hbm>>
    %dma_wait3A_89 = arith.constant 0 : i32
    %dma_wait3A_90 = tpu.memref_slice %arg4[%mul3A_86, %dma_wait3A_89] : memref<102400x128xf32, #tpu.memory_space<hbm>> -> memref<320x128xf32, #tpu.memory_space<hbm>>
    tpu.wait_dma2 semaphore(%arg16 : memref<!tpu.dma_semaphore, #tpu.memory_space<semaphore_mem>>) src(%arg10 : memref<320x128xf32, #tpu.memory_space<vmem>>) dst(%dma_wait3A_90 : memref<320x128xf32, #tpu.memory_space<hbm>>)
    %add3A_91 = arith.constant 160 : i32
    %add3A_92 = arith.addi %add3A_91, %add3A : i32
    %mul3A_93 = arith.constant 320 : i32
    %mul3A_94 = arith.muli %add3A_92, %mul3A_93 : i32
    "tpu.region"() ({
      %run_scoped3A = tpu.sem_alloc : memref<!tpu.dma_semaphore, #tpu.memory_space<semaphore_mem>>
      %dma_start3A_259 = tpu.memref_slice %arg3[%mul3A_94] : memref<102400xi32, #tpu.memory_space<hbm>> -> memref<320xi32, #tpu.memory_space<hbm>>
      %dma_start3A_260 = tpu.memref_slice %arg3[%mul3A_94] : memref<102400xi32, #tpu.memory_space<hbm>> -> memref<320xi32, #tpu.memory_space<hbm>>
      tpu.enqueue_dma source(%dma_start3A_260 : memref<320xi32, #tpu.memory_space<hbm>>) target(%arg7 : memref<320xi32, #tpu.memory_space<vmem>>) target_semaphore(%run_scoped3A : memref<!tpu.dma_semaphore, #tpu.memory_space<semaphore_mem>>)
      %dma_wait3A_261 = tpu.memref_slice %arg3[%mul3A_94] : memref<102400xi32, #tpu.memory_space<hbm>> -> memref<320xi32, #tpu.memory_space<hbm>>
      %dma_wait3A_262 = tpu.memref_slice %arg3[%mul3A_94] : memref<102400xi32, #tpu.memory_space<hbm>> -> memref<320xi32, #tpu.memory_space<hbm>>
      tpu.wait_dma2 semaphore(%run_scoped3A : memref<!tpu.dma_semaphore, #tpu.memory_space<semaphore_mem>>) src(%dma_wait3A_262 : memref<320xi32, #tpu.memory_space<hbm>>) dst(%arg7 : memref<320xi32, #tpu.memory_space<vmem>>)
      tpu.yield
    }) : () -> ()
    %dma_start3A_95 = arith.constant 0 : i32
    %dma_start3A_96 = arith.constant 0 : i32
    %dma_start3A_97 = tpu.memref_slice %arg2[%dma_start3A_95, %dma_start3A_96] : memref<507904x128xf32, #tpu.memory_space<hbm>> -> memref<507904x128xf32, #tpu.memory_space<hbm>>
    tpu.enqueue_indirect_dma source(%dma_start3A_97 : memref<507904x128xf32, #tpu.memory_space<hbm>>) target(%arg10 : memref<320x128xf32, #tpu.memory_space<vmem>>) offsets(%arg7 : memref<320xi32, #tpu.memory_space<vmem>>) semaphore(%arg13 : memref<!tpu.dma_semaphore, #tpu.memory_space<semaphore_mem>>)
    %dma_wait3A_98 = arith.constant 0 : i32
    %dma_wait3A_99 = arith.constant 0 : i32
    %dma_wait3A_100 = tpu.memref_slice %arg2[%dma_wait3A_98, %dma_wait3A_99] : memref<507904x128xf32, #tpu.memory_space<hbm>> -> memref<507904x128xf32, #tpu.memory_space<hbm>>
    tpu.wait_indirect_dma semaphore(%arg11 : memref<!tpu.dma_semaphore, #tpu.memory_space<semaphore_mem>>) src(%dma_wait3A_100 : memref<507904x128xf32, #tpu.memory_space<hbm>>) dst(%arg8 : memref<320x128xf32, #tpu.memory_space<vmem>>)
    %add3A_101 = arith.constant 96 : i32
    %add3A_102 = arith.addi %add3A_101, %add3A : i32
    %mul3A_103 = arith.constant 320 : i32
    %mul3A_104 = arith.muli %add3A_102, %mul3A_103 : i32
    %dma_start3A_105 = arith.constant 0 : i32
    %dma_start3A_106 = tpu.memref_slice %arg4[%mul3A_104, %dma_start3A_105] : memref<102400x128xf32, #tpu.memory_space<hbm>> -> memref<320x128xf32, #tpu.memory_space<hbm>>
    %dma_start3A_107 = arith.constant 0 : i32
    %dma_start3A_108 = tpu.memref_slice %arg4[%mul3A_104, %dma_start3A_107] : memref<102400x128xf32, #tpu.memory_space<hbm>> -> memref<320x128xf32, #tpu.memory_space<hbm>>
    tpu.enqueue_dma source(%arg8 : memref<320x128xf32, #tpu.memory_space<vmem>>) target(%dma_start3A_108 : memref<320x128xf32, #tpu.memory_space<hbm>>) target_semaphore(%arg14 : memref<!tpu.dma_semaphore, #tpu.memory_space<semaphore_mem>>)
    %add3A_109 = arith.constant 96 : i32
    %add3A_110 = arith.addi %add3A_109, %add3A : i32
    %mul3A_111 = arith.constant 320 : i32
    %mul3A_112 = arith.muli %add3A_110, %mul3A_111 : i32
    %dma_wait3A_113 = arith.constant 0 : i32
    %dma_wait3A_114 = tpu.memref_slice %arg4[%mul3A_112, %dma_wait3A_113] : memref<102400x128xf32, #tpu.memory_space<hbm>> -> memref<320x128xf32, #tpu.memory_space<hbm>>
    %dma_wait3A_115 = arith.constant 0 : i32
    %dma_wait3A_116 = tpu.memref_slice %arg4[%mul3A_112, %dma_wait3A_115] : memref<102400x128xf32, #tpu.memory_space<hbm>> -> memref<320x128xf32, #tpu.memory_space<hbm>>
    tpu.wait_dma2 semaphore(%arg14 : memref<!tpu.dma_semaphore, #tpu.memory_space<semaphore_mem>>) src(%arg8 : memref<320x128xf32, #tpu.memory_space<vmem>>) dst(%dma_wait3A_116 : memref<320x128xf32, #tpu.memory_space<hbm>>)
    %add3A_117 = arith.constant 192 : i32
    %add3A_118 = arith.addi %add3A_117, %add3A : i32
    %mul3A_119 = arith.constant 320 : i32
    %mul3A_120 = arith.muli %add3A_118, %mul3A_119 : i32
    "tpu.region"() ({
      %run_scoped3A = tpu.sem_alloc : memref<!tpu.dma_semaphore, #tpu.memory_space<semaphore_mem>>
      %dma_start3A_259 = tpu.memref_slice %arg3[%mul3A_120] : memref<102400xi32, #tpu.memory_space<hbm>> -> memref<320xi32, #tpu.memory_space<hbm>>
      %dma_start3A_260 = tpu.memref_slice %arg3[%mul3A_120] : memref<102400xi32, #tpu.memory_space<hbm>> -> memref<320xi32, #tpu.memory_space<hbm>>
      tpu.enqueue_dma source(%dma_start3A_260 : memref<320xi32, #tpu.memory_space<hbm>>) target(%arg5 : memref<320xi32, #tpu.memory_space<vmem>>) target_semaphore(%run_scoped3A : memref<!tpu.dma_semaphore, #tpu.memory_space<semaphore_mem>>)
      %dma_wait3A_261 = tpu.memref_slice %arg3[%mul3A_120] : memref<102400xi32, #tpu.memory_space<hbm>> -> memref<320xi32, #tpu.memory_space<hbm>>
      %dma_wait3A_262 = tpu.memref_slice %arg3[%mul3A_120] : memref<102400xi32, #tpu.memory_space<hbm>> -> memref<320xi32, #tpu.memory_space<hbm>>
      tpu.wait_dma2 semaphore(%run_scoped3A : memref<!tpu.dma_semaphore, #tpu.memory_space<semaphore_mem>>) src(%dma_wait3A_262 : memref<320xi32, #tpu.memory_space<hbm>>) dst(%arg5 : memref<320xi32, #tpu.memory_space<vmem>>)
      tpu.yield
    }) : () -> ()
    %dma_start3A_121 = arith.constant 0 : i32
    %dma_start3A_122 = arith.constant 0 : i32
    %dma_start3A_123 = tpu.memref_slice %arg2[%dma_start3A_121, %dma_start3A_122] : memref<507904x128xf32, #tpu.memory_space<hbm>> -> memref<507904x128xf32, #tpu.memory_space<hbm>>
    tpu.enqueue_indirect_dma source(%dma_start3A_123 : memref<507904x128xf32, #tpu.memory_space<hbm>>) target(%arg8 : memref<320x128xf32, #tpu.memory_space<vmem>>) offsets(%arg5 : memref<320xi32, #tpu.memory_space<vmem>>) semaphore(%arg11 : memref<!tpu.dma_semaphore, #tpu.memory_space<semaphore_mem>>)
    %dma_wait3A_124 = arith.constant 0 : i32
    %dma_wait3A_125 = arith.constant 0 : i32
    %dma_wait3A_126 = tpu.memref_slice %arg2[%dma_wait3A_124, %dma_wait3A_125] : memref<507904x128xf32, #tpu.memory_space<hbm>> -> memref<507904x128xf32, #tpu.memory_space<hbm>>
    tpu.wait_indirect_dma semaphore(%arg12 : memref<!tpu.dma_semaphore, #tpu.memory_space<semaphore_mem>>) src(%dma_wait3A_126 : memref<507904x128xf32, #tpu.memory_space<hbm>>) dst(%arg9 : memref<320x128xf32, #tpu.memory_space<vmem>>)
    %add3A_127 = arith.constant 128 : i32
    %add3A_128 = arith.addi %add3A_127, %add3A : i32
    %mul3A_129 = arith.constant 320 : i32
    %mul3A_130 = arith.muli %add3A_128, %mul3A_129 : i32
    %dma_start3A_131 = arith.constant 0 : i32
    %dma_start3A_132 = tpu.memref_slice %arg4[%mul3A_130, %dma_start3A_131] : memref<102400x128xf32, #tpu.memory_space<hbm>> -> memref<320x128xf32, #tpu.memory_space<hbm>>
    %dma_start3A_133 = arith.constant 0 : i32
    %dma_start3A_134 = tpu.memref_slice %arg4[%mul3A_130, %dma_start3A_133] : memref<102400x128xf32, #tpu.memory_space<hbm>> -> memref<320x128xf32, #tpu.memory_space<hbm>>
    tpu.enqueue_dma source(%arg9 : memref<320x128xf32, #tpu.memory_space<vmem>>) target(%dma_start3A_134 : memref<320x128xf32, #tpu.memory_space<hbm>>) target_semaphore(%arg15 : memref<!tpu.dma_semaphore, #tpu.memory_space<semaphore_mem>>)
    %add3A_135 = arith.constant 128 : i32
    %add3A_136 = arith.addi %add3A_135, %add3A : i32
    %mul3A_137 = arith.constant 320 : i32
    %mul3A_138 = arith.muli %add3A_136, %mul3A_137 : i32
    %dma_wait3A_139 = arith.constant 0 : i32
    %dma_wait3A_140 = tpu.memref_slice %arg4[%mul3A_138, %dma_wait3A_139] : memref<102400x128xf32, #tpu.memory_space<hbm>> -> memref<320x128xf32, #tpu.memory_space<hbm>>
    %dma_wait3A_141 = arith.constant 0 : i32
    %dma_wait3A_142 = tpu.memref_slice %arg4[%mul3A_138, %dma_wait3A_141] : memref<102400x128xf32, #tpu.memory_space<hbm>> -> memref<320x128xf32, #tpu.memory_space<hbm>>
    tpu.wait_dma2 semaphore(%arg15 : memref<!tpu.dma_semaphore, #tpu.memory_space<semaphore_mem>>) src(%arg9 : memref<320x128xf32, #tpu.memory_space<vmem>>) dst(%dma_wait3A_142 : memref<320x128xf32, #tpu.memory_space<hbm>>)
    %add3A_143 = arith.constant 224 : i32
    %add3A_144 = arith.addi %add3A_143, %add3A : i32
    %mul3A_145 = arith.constant 320 : i32
    %mul3A_146 = arith.muli %add3A_144, %mul3A_145 : i32
    "tpu.region"() ({
      %run_scoped3A = tpu.sem_alloc : memref<!tpu.dma_semaphore, #tpu.memory_space<semaphore_mem>>
      %dma_start3A_259 = tpu.memref_slice %arg3[%mul3A_146] : memref<102400xi32, #tpu.memory_space<hbm>> -> memref<320xi32, #tpu.memory_space<hbm>>
      %dma_start3A_260 = tpu.memref_slice %arg3[%mul3A_146] : memref<102400xi32, #tpu.memory_space<hbm>> -> memref<320xi32, #tpu.memory_space<hbm>>
      tpu.enqueue_dma source(%dma_start3A_260 : memref<320xi32, #tpu.memory_space<hbm>>) target(%arg6 : memref<320xi32, #tpu.memory_space<vmem>>) target_semaphore(%run_scoped3A : memref<!tpu.dma_semaphore, #tpu.memory_space<semaphore_mem>>)
      %dma_wait3A_261 = tpu.memref_slice %arg3[%mul3A_146] : memref<102400xi32, #tpu.memory_space<hbm>> -> memref<320xi32, #tpu.memory_space<hbm>>
      %dma_wait3A_262 = tpu.memref_slice %arg3[%mul3A_146] : memref<102400xi32, #tpu.memory_space<hbm>> -> memref<320xi32, #tpu.memory_space<hbm>>
      tpu.wait_dma2 semaphore(%run_scoped3A : memref<!tpu.dma_semaphore, #tpu.memory_space<semaphore_mem>>) src(%dma_wait3A_262 : memref<320xi32, #tpu.memory_space<hbm>>) dst(%arg6 : memref<320xi32, #tpu.memory_space<vmem>>)
      tpu.yield
    }) : () -> ()
    %dma_start3A_147 = arith.constant 0 : i32
    %dma_start3A_148 = arith.constant 0 : i32
    %dma_start3A_149 = tpu.memref_slice %arg2[%dma_start3A_147, %dma_start3A_148] : memref<507904x128xf32, #tpu.memory_space<hbm>> -> memref<507904x128xf32, #tpu.memory_space<hbm>>
    tpu.enqueue_indirect_dma source(%dma_start3A_149 : memref<507904x128xf32, #tpu.memory_space<hbm>>) target(%arg9 : memref<320x128xf32, #tpu.memory_space<vmem>>) offsets(%arg6 : memref<320xi32, #tpu.memory_space<vmem>>) semaphore(%arg12 : memref<!tpu.dma_semaphore, #tpu.memory_space<semaphore_mem>>)
    %dma_wait3A_150 = arith.constant 0 : i32
    %dma_wait3A_151 = arith.constant 0 : i32
    %dma_wait3A_152 = tpu.memref_slice %arg2[%dma_wait3A_150, %dma_wait3A_151] : memref<507904x128xf32, #tpu.memory_space<hbm>> -> memref<507904x128xf32, #tpu.memory_space<hbm>>
    tpu.wait_indirect_dma semaphore(%arg13 : memref<!tpu.dma_semaphore, #tpu.memory_space<semaphore_mem>>) src(%dma_wait3A_152 : memref<507904x128xf32, #tpu.memory_space<hbm>>) dst(%arg10 : memref<320x128xf32, #tpu.memory_space<vmem>>)
    %add3A_153 = arith.constant 160 : i32
    %add3A_154 = arith.addi %add3A_153, %add3A : i32
    %mul3A_155 = arith.constant 320 : i32
    %mul3A_156 = arith.muli %add3A_154, %mul3A_155 : i32
    %dma_start3A_157 = arith.constant 0 : i32
    %dma_start3A_158 = tpu.memref_slice %arg4[%mul3A_156, %dma_start3A_157] : memref<102400x128xf32, #tpu.memory_space<hbm>> -> memref<320x128xf32, #tpu.memory_space<hbm>>
    %dma_start3A_159 = arith.constant 0 : i32
    %dma_start3A_160 = tpu.memref_slice %arg4[%mul3A_156, %dma_start3A_159] : memref<102400x128xf32, #tpu.memory_space<hbm>> -> memref<320x128xf32, #tpu.memory_space<hbm>>
    tpu.enqueue_dma source(%arg10 : memref<320x128xf32, #tpu.memory_space<vmem>>) target(%dma_start3A_160 : memref<320x128xf32, #tpu.memory_space<hbm>>) target_semaphore(%arg16 : memref<!tpu.dma_semaphore, #tpu.memory_space<semaphore_mem>>)
    %add3A_161 = arith.constant 160 : i32
    %add3A_162 = arith.addi %add3A_161, %add3A : i32
    %mul3A_163 = arith.constant 320 : i32
    %mul3A_164 = arith.muli %add3A_162, %mul3A_163 : i32
    %dma_wait3A_165 = arith.constant 0 : i32
    %dma_wait3A_166 = tpu.memref_slice %arg4[%mul3A_164, %dma_wait3A_165] : memref<102400x128xf32, #tpu.memory_space<hbm>> -> memref<320x128xf32, #tpu.memory_space<hbm>>
    %dma_wait3A_167 = arith.constant 0 : i32
    %dma_wait3A_168 = tpu.memref_slice %arg4[%mul3A_164, %dma_wait3A_167] : memref<102400x128xf32, #tpu.memory_space<hbm>> -> memref<320x128xf32, #tpu.memory_space<hbm>>
    tpu.wait_dma2 semaphore(%arg16 : memref<!tpu.dma_semaphore, #tpu.memory_space<semaphore_mem>>) src(%arg10 : memref<320x128xf32, #tpu.memory_space<vmem>>) dst(%dma_wait3A_168 : memref<320x128xf32, #tpu.memory_space<hbm>>)
    %add3A_169 = arith.constant 256 : i32
    %add3A_170 = arith.addi %add3A_169, %add3A : i32
    %mul3A_171 = arith.constant 320 : i32
    %mul3A_172 = arith.muli %add3A_170, %mul3A_171 : i32
    "tpu.region"() ({
      %run_scoped3A = tpu.sem_alloc : memref<!tpu.dma_semaphore, #tpu.memory_space<semaphore_mem>>
      %dma_start3A_259 = tpu.memref_slice %arg3[%mul3A_172] : memref<102400xi32, #tpu.memory_space<hbm>> -> memref<320xi32, #tpu.memory_space<hbm>>
      %dma_start3A_260 = tpu.memref_slice %arg3[%mul3A_172] : memref<102400xi32, #tpu.memory_space<hbm>> -> memref<320xi32, #tpu.memory_space<hbm>>
      tpu.enqueue_dma source(%dma_start3A_260 : memref<320xi32, #tpu.memory_space<hbm>>) target(%arg7 : memref<320xi32, #tpu.memory_space<vmem>>) target_semaphore(%run_scoped3A : memref<!tpu.dma_semaphore, #tpu.memory_space<semaphore_mem>>)
      %dma_wait3A_261 = tpu.memref_slice %arg3[%mul3A_172] : memref<102400xi32, #tpu.memory_space<hbm>> -> memref<320xi32, #tpu.memory_space<hbm>>
      %dma_wait3A_262 = tpu.memref_slice %arg3[%mul3A_172] : memref<102400xi32, #tpu.memory_space<hbm>> -> memref<320xi32, #tpu.memory_space<hbm>>
      tpu.wait_dma2 semaphore(%run_scoped3A : memref<!tpu.dma_semaphore, #tpu.memory_space<semaphore_mem>>) src(%dma_wait3A_262 : memref<320xi32, #tpu.memory_space<hbm>>) dst(%arg7 : memref<320xi32, #tpu.memory_space<vmem>>)
      tpu.yield
    }) : () -> ()
    %dma_start3A_173 = arith.constant 0 : i32
    %dma_start3A_174 = arith.constant 0 : i32
    %dma_start3A_175 = tpu.memref_slice %arg2[%dma_start3A_173, %dma_start3A_174] : memref<507904x128xf32, #tpu.memory_space<hbm>> -> memref<507904x128xf32, #tpu.memory_space<hbm>>
    tpu.enqueue_indirect_dma source(%dma_start3A_175 : memref<507904x128xf32, #tpu.memory_space<hbm>>) target(%arg10 : memref<320x128xf32, #tpu.memory_space<vmem>>) offsets(%arg7 : memref<320xi32, #tpu.memory_space<vmem>>) semaphore(%arg13 : memref<!tpu.dma_semaphore, #tpu.memory_space<semaphore_mem>>)
    %dma_wait3A_176 = arith.constant 0 : i32
    %dma_wait3A_177 = arith.constant 0 : i32
    %dma_wait3A_178 = tpu.memref_slice %arg2[%dma_wait3A_176, %dma_wait3A_177] : memref<507904x128xf32, #tpu.memory_space<hbm>> -> memref<507904x128xf32, #tpu.memory_space<hbm>>
    tpu.wait_indirect_dma semaphore(%arg11 : memref<!tpu.dma_semaphore, #tpu.memory_space<semaphore_mem>>) src(%dma_wait3A_178 : memref<507904x128xf32, #tpu.memory_space<hbm>>) dst(%arg8 : memref<320x128xf32, #tpu.memory_space<vmem>>)
    %add3A_179 = arith.constant 192 : i32
    %add3A_180 = arith.addi %add3A_179, %add3A : i32
    %mul3A_181 = arith.constant 320 : i32
    %mul3A_182 = arith.muli %add3A_180, %mul3A_181 : i32
    %dma_start3A_183 = arith.constant 0 : i32
    %dma_start3A_184 = tpu.memref_slice %arg4[%mul3A_182, %dma_start3A_183] : memref<102400x128xf32, #tpu.memory_space<hbm>> -> memref<320x128xf32, #tpu.memory_space<hbm>>
    %dma_start3A_185 = arith.constant 0 : i32
    %dma_start3A_186 = tpu.memref_slice %arg4[%mul3A_182, %dma_start3A_185] : memref<102400x128xf32, #tpu.memory_space<hbm>> -> memref<320x128xf32, #tpu.memory_space<hbm>>
    tpu.enqueue_dma source(%arg8 : memref<320x128xf32, #tpu.memory_space<vmem>>) target(%dma_start3A_186 : memref<320x128xf32, #tpu.memory_space<hbm>>) target_semaphore(%arg14 : memref<!tpu.dma_semaphore, #tpu.memory_space<semaphore_mem>>)
    %add3A_187 = arith.constant 192 : i32
    %add3A_188 = arith.addi %add3A_187, %add3A : i32
    %mul3A_189 = arith.constant 320 : i32
    %mul3A_190 = arith.muli %add3A_188, %mul3A_189 : i32
    %dma_wait3A_191 = arith.constant 0 : i32
    %dma_wait3A_192 = tpu.memref_slice %arg4[%mul3A_190, %dma_wait3A_191] : memref<102400x128xf32, #tpu.memory_space<hbm>> -> memref<320x128xf32, #tpu.memory_space<hbm>>
    %dma_wait3A_193 = arith.constant 0 : i32
    %dma_wait3A_194 = tpu.memref_slice %arg4[%mul3A_190, %dma_wait3A_193] : memref<102400x128xf32, #tpu.memory_space<hbm>> -> memref<320x128xf32, #tpu.memory_space<hbm>>
    tpu.wait_dma2 semaphore(%arg14 : memref<!tpu.dma_semaphore, #tpu.memory_space<semaphore_mem>>) src(%arg8 : memref<320x128xf32, #tpu.memory_space<vmem>>) dst(%dma_wait3A_194 : memref<320x128xf32, #tpu.memory_space<hbm>>)
    %add3A_195 = arith.constant 288 : i32
    %add3A_196 = arith.addi %add3A_195, %add3A : i32
    %mul3A_197 = arith.constant 320 : i32
    %mul3A_198 = arith.muli %add3A_196, %mul3A_197 : i32
    "tpu.region"() ({
      %run_scoped3A = tpu.sem_alloc : memref<!tpu.dma_semaphore, #tpu.memory_space<semaphore_mem>>
      %dma_start3A_259 = tpu.memref_slice %arg3[%mul3A_198] : memref<102400xi32, #tpu.memory_space<hbm>> -> memref<320xi32, #tpu.memory_space<hbm>>
      %dma_start3A_260 = tpu.memref_slice %arg3[%mul3A_198] : memref<102400xi32, #tpu.memory_space<hbm>> -> memref<320xi32, #tpu.memory_space<hbm>>
      tpu.enqueue_dma source(%dma_start3A_260 : memref<320xi32, #tpu.memory_space<hbm>>) target(%arg5 : memref<320xi32, #tpu.memory_space<vmem>>) target_semaphore(%run_scoped3A : memref<!tpu.dma_semaphore, #tpu.memory_space<semaphore_mem>>)
      %dma_wait3A_261 = tpu.memref_slice %arg3[%mul3A_198] : memref<102400xi32, #tpu.memory_space<hbm>> -> memref<320xi32, #tpu.memory_space<hbm>>
      %dma_wait3A_262 = tpu.memref_slice %arg3[%mul3A_198] : memref<102400xi32, #tpu.memory_space<hbm>> -> memref<320xi32, #tpu.memory_space<hbm>>
      tpu.wait_dma2 semaphore(%run_scoped3A : memref<!tpu.dma_semaphore, #tpu.memory_space<semaphore_mem>>) src(%dma_wait3A_262 : memref<320xi32, #tpu.memory_space<hbm>>) dst(%arg5 : memref<320xi32, #tpu.memory_space<vmem>>)
      tpu.yield
    }) : () -> ()
    %dma_start3A_199 = arith.constant 0 : i32
    %dma_start3A_200 = arith.constant 0 : i32
    %dma_start3A_201 = tpu.memref_slice %arg2[%dma_start3A_199, %dma_start3A_200] : memref<507904x128xf32, #tpu.memory_space<hbm>> -> memref<507904x128xf32, #tpu.memory_space<hbm>>
    tpu.enqueue_indirect_dma source(%dma_start3A_201 : memref<507904x128xf32, #tpu.memory_space<hbm>>) target(%arg8 : memref<320x128xf32, #tpu.memory_space<vmem>>) offsets(%arg5 : memref<320xi32, #tpu.memory_space<vmem>>) semaphore(%arg11 : memref<!tpu.dma_semaphore, #tpu.memory_space<semaphore_mem>>)
    %dma_wait3A_202 = arith.constant 0 : i32
    %dma_wait3A_203 = arith.constant 0 : i32
    %dma_wait3A_204 = tpu.memref_slice %arg2[%dma_wait3A_202, %dma_wait3A_203] : memref<507904x128xf32, #tpu.memory_space<hbm>> -> memref<507904x128xf32, #tpu.memory_space<hbm>>
    tpu.wait_indirect_dma semaphore(%arg12 : memref<!tpu.dma_semaphore, #tpu.memory_space<semaphore_mem>>) src(%dma_wait3A_204 : memref<507904x128xf32, #tpu.memory_space<hbm>>) dst(%arg9 : memref<320x128xf32, #tpu.memory_space<vmem>>)
    %add3A_205 = arith.constant 224 : i32
    %add3A_206 = arith.addi %add3A_205, %add3A : i32
    %mul3A_207 = arith.constant 320 : i32
    %mul3A_208 = arith.muli %add3A_206, %mul3A_207 : i32
    %dma_start3A_209 = arith.constant 0 : i32
    %dma_start3A_210 = tpu.memref_slice %arg4[%mul3A_208, %dma_start3A_209] : memref<102400x128xf32, #tpu.memory_space<hbm>> -> memref<320x128xf32, #tpu.memory_space<hbm>>
    %dma_start3A_211 = arith.constant 0 : i32
    %dma_start3A_212 = tpu.memref_slice %arg4[%mul3A_208, %dma_start3A_211] : memref<102400x128xf32, #tpu.memory_space<hbm>> -> memref<320x128xf32, #tpu.memory_space<hbm>>
    tpu.enqueue_dma source(%arg9 : memref<320x128xf32, #tpu.memory_space<vmem>>) target(%dma_start3A_212 : memref<320x128xf32, #tpu.memory_space<hbm>>) target_semaphore(%arg15 : memref<!tpu.dma_semaphore, #tpu.memory_space<semaphore_mem>>)
    %dma_wait3A_213 = arith.constant 0 : i32
    %dma_wait3A_214 = arith.constant 0 : i32
    %dma_wait3A_215 = tpu.memref_slice %arg2[%dma_wait3A_213, %dma_wait3A_214] : memref<507904x128xf32, #tpu.memory_space<hbm>> -> memref<507904x128xf32, #tpu.memory_space<hbm>>
    tpu.wait_indirect_dma semaphore(%arg13 : memref<!tpu.dma_semaphore, #tpu.memory_space<semaphore_mem>>) src(%dma_wait3A_215 : memref<507904x128xf32, #tpu.memory_space<hbm>>) dst(%arg10 : memref<320x128xf32, #tpu.memory_space<vmem>>)
    %add3A_216 = arith.constant 256 : i32
    %add3A_217 = arith.addi %add3A_216, %add3A : i32
    %mul3A_218 = arith.constant 320 : i32
    %mul3A_219 = arith.muli %add3A_217, %mul3A_218 : i32
    %dma_start3A_220 = arith.constant 0 : i32
    %dma_start3A_221 = tpu.memref_slice %arg4[%mul3A_219, %dma_start3A_220] : memref<102400x128xf32, #tpu.memory_space<hbm>> -> memref<320x128xf32, #tpu.memory_space<hbm>>
    %dma_start3A_222 = arith.constant 0 : i32
    %dma_start3A_223 = tpu.memref_slice %arg4[%mul3A_219, %dma_start3A_222] : memref<102400x128xf32, #tpu.memory_space<hbm>> -> memref<320x128xf32, #tpu.memory_space<hbm>>
    tpu.enqueue_dma source(%arg10 : memref<320x128xf32, #tpu.memory_space<vmem>>) target(%dma_start3A_223 : memref<320x128xf32, #tpu.memory_space<hbm>>) target_semaphore(%arg16 : memref<!tpu.dma_semaphore, #tpu.memory_space<semaphore_mem>>)
    %dma_wait3A_224 = arith.constant 0 : i32
    %dma_wait3A_225 = arith.constant 0 : i32
    %dma_wait3A_226 = tpu.memref_slice %arg2[%dma_wait3A_224, %dma_wait3A_225] : memref<507904x128xf32, #tpu.memory_space<hbm>> -> memref<507904x128xf32, #tpu.memory_space<hbm>>
    tpu.wait_indirect_dma semaphore(%arg11 : memref<!tpu.dma_semaphore, #tpu.memory_space<semaphore_mem>>) src(%dma_wait3A_226 : memref<507904x128xf32, #tpu.memory_space<hbm>>) dst(%arg8 : memref<320x128xf32, #tpu.memory_space<vmem>>)
    %add3A_227 = arith.constant 288 : i32
    %add3A_228 = arith.addi %add3A_227, %add3A : i32
    %mul3A_229 = arith.constant 320 : i32
    %mul3A_230 = arith.muli %add3A_228, %mul3A_229 : i32
    %dma_start3A_231 = arith.constant 0 : i32
    %dma_start3A_232 = tpu.memref_slice %arg4[%mul3A_230, %dma_start3A_231] : memref<102400x128xf32, #tpu.memory_space<hbm>> -> memref<320x128xf32, #tpu.memory_space<hbm>>
    %dma_start3A_233 = arith.constant 0 : i32
    %dma_start3A_234 = tpu.memref_slice %arg4[%mul3A_230, %dma_start3A_233] : memref<102400x128xf32, #tpu.memory_space<hbm>> -> memref<320x128xf32, #tpu.memory_space<hbm>>
    tpu.enqueue_dma source(%arg8 : memref<320x128xf32, #tpu.memory_space<vmem>>) target(%dma_start3A_234 : memref<320x128xf32, #tpu.memory_space<hbm>>) target_semaphore(%arg14 : memref<!tpu.dma_semaphore, #tpu.memory_space<semaphore_mem>>)
    %add3A_235 = arith.constant 224 : i32
    %add3A_236 = arith.addi %add3A_235, %add3A : i32
    %mul3A_237 = arith.constant 320 : i32
    %mul3A_238 = arith.muli %add3A_236, %mul3A_237 : i32
    %dma_wait3A_239 = arith.constant 0 : i32
    %dma_wait3A_240 = tpu.memref_slice %arg4[%mul3A_238, %dma_wait3A_239] : memref<102400x128xf32, #tpu.memory_space<hbm>> -> memref<320x128xf32, #tpu.memory_space<hbm>>
    %dma_wait3A_241 = arith.constant 0 : i32
    %dma_wait3A_242 = tpu.memref_slice %arg4[%mul3A_238, %dma_wait3A_241] : memref<102400x128xf32, #tpu.memory_space<hbm>> -> memref<320x128xf32, #tpu.memory_space<hbm>>
    tpu.wait_dma2 semaphore(%arg15 : memref<!tpu.dma_semaphore, #tpu.memory_space<semaphore_mem>>) src(%arg9 : memref<320x128xf32, #tpu.memory_space<vmem>>) dst(%dma_wait3A_242 : memref<320x128xf32, #tpu.memory_space<hbm>>)
    %add3A_243 = arith.constant 256 : i32
    %add3A_244 = arith.addi %add3A_243, %add3A : i32
    %mul3A_245 = arith.constant 320 : i32
    %mul3A_246 = arith.muli %add3A_244, %mul3A_245 : i32
    %dma_wait3A_247 = arith.constant 0 : i32
    %dma_wait3A_248 = tpu.memref_slice %arg4[%mul3A_246, %dma_wait3A_247] : memref<102400x128xf32, #tpu.memory_space<hbm>> -> memref<320x128xf32, #tpu.memory_space<hbm>>
    %dma_wait3A_249 = arith.constant 0 : i32
    %dma_wait3A_250 = tpu.memref_slice %arg4[%mul3A_246, %dma_wait3A_249] : memref<102400x128xf32, #tpu.memory_space<hbm>> -> memref<320x128xf32, #tpu.memory_space<hbm>>
    tpu.wait_dma2 semaphore(%arg16 : memref<!tpu.dma_semaphore, #tpu.memory_space<semaphore_mem>>) src(%arg10 : memref<320x128xf32, #tpu.memory_space<vmem>>) dst(%dma_wait3A_250 : memref<320x128xf32, #tpu.memory_space<hbm>>)
    %add3A_251 = arith.constant 288 : i32
    %add3A_252 = arith.addi %add3A_251, %add3A : i32
    %mul3A_253 = arith.constant 320 : i32
    %mul3A_254 = arith.muli %add3A_252, %mul3A_253 : i32
    %dma_wait3A_255 = arith.constant 0 : i32
    %dma_wait3A_256 = tpu.memref_slice %arg4[%mul3A_254, %dma_wait3A_255] : memref<102400x128xf32, #tpu.memory_space<hbm>> -> memref<320x128xf32, #tpu.memory_space<hbm>>
    %dma_wait3A_257 = arith.constant 0 : i32
    %dma_wait3A_258 = tpu.memref_slice %arg4[%mul3A_254, %dma_wait3A_257] : memref<102400x128xf32, #tpu.memory_space<hbm>> -> memref<320x128xf32, #tpu.memory_space<hbm>>
    tpu.wait_dma2 semaphore(%arg14 : memref<!tpu.dma_semaphore, #tpu.memory_space<semaphore_mem>>) src(%arg8 : memref<320x128xf32, #tpu.memory_space<vmem>>) dst(%dma_wait3A_258 : memref<320x128xf32, #tpu.memory_space<hbm>>)
    return
  }
}

module attributes {stable_mosaic.version = 14 : i64} {
  func.func @body(%arg0: i32, %arg1: memref<64x8192xf32, #tpu.memory_space<vmem>>, %arg2: memref<64x8192xf32, #tpu.memory_space<vmem>>, %arg3: memref<8192x128xf32, #tpu.memory_space<vmem>>) attributes {dimension_semantics = [#tpu.dimension_semantics<arbitrary>], iteration_bounds = array<i64: 62>, scalar_prefetch = 0 : i64, scratch_operands = 0 : i64, tpu.core_type = #tpu.core_type<tc>, window_params = [{transform_indices = @transform_0, window_bounds = array<i64: 64, 8192>}, {transform_indices = @transform_1, window_bounds = array<i64: 64, 8192>}, {transform_indices = @transform_2, window_bounds = array<i64: 8192, 128>}]} {
    %get3A = arith.constant 0 : index
    %get3A_0 = arith.constant 0 : index
    %get3A_1 = vector.load %arg1[%get3A, %get3A_0] : memref<64x8192xf32, #tpu.memory_space<vmem>>, vector<64x8192xf32>
    %get3A_2 = arith.constant 0 : index
    %get3A_3 = arith.constant 0 : index
    %get3A_4 = vector.load %arg2[%get3A_2, %get3A_3] : memref<64x8192xf32, #tpu.memory_space<vmem>>, vector<64x8192xf32>
    %concatenate3A = tpu.concatenate %get3A_1, %get3A_4 in 0 : vector<64x8192xf32>, vector<64x8192xf32> -> vector<128x8192xf32>
    %iota3A = tpu.iota {dimensions = array<i32: 0>} : vector<128x128xi32>
    %iota3A_5 = tpu.iota {dimensions = array<i32: 1>} : vector<128x128xi32>
    %add3A = arith.constant 0 : i32
    %add3A_6 = vector.broadcast %add3A : i32 to vector<128x128xi32>
    %add3A_7 = arith.addi %iota3A, %add3A_6 : vector<128x128xi32>
    %eq3A = arith.cmpi eq, %add3A_7, %iota3A_5 : vector<128x128xi32>
    %convert_element_type3A = arith.extui %eq3A : vector<128x128xi1> to vector<128x128xi32>
    %convert_element_type3A_8 = arith.sitofp %convert_element_type3A : vector<128x128xi32> to vector<128x128xf32>
    %dot_general3A = arith.constant dense<0.000000e+00> : vector<8192x128xf32>
    %dot_general3A_9 = tpu.matmul %concatenate3A, %convert_element_type3A_8, %dot_general3A {dimension_numbers = #tpu.dot_dimension_numbers<[0], [0], [1], [1], [0, 1, 1, 1], [], []>, transpose_lhs_hint = false} : vector<128x8192xf32>, vector<128x128xf32>, vector<8192x128xf32> -> vector<8192x128xf32>
    %swap3A = arith.constant 0 : index
    %swap3A_10 = arith.constant 0 : index
    %swap3A_11 = vector.load %arg3[%swap3A, %swap3A_10] : memref<8192x128xf32, #tpu.memory_space<vmem>>, vector<8192x128xf32>
    tpu.vector_store %arg3[%swap3A, %swap3A_10], %dot_general3A_9 {strides = array<i32>} : memref<8192x128xf32, #tpu.memory_space<vmem>>, vector<8192x128xf32>,
    return
  }
  func.func @transform_0(%arg0: i32) -> (i32, i32) {
    %c0_i32 = arith.constant 0 : i32
    %c0_i32_0 = arith.constant 0 : i32
    return %c0_i32, %arg0 : i32, i32
  }
  func.func @transform_1(%arg0: i32) -> (i32, i32) {
    %add3A = arith.constant 62 : i32
    %add3A_0 = arith.addi %arg0, %add3A : i32
    %min3A = arith.constant 122 : i32
    %min3A_1 = arith.minsi %add3A_0, %min3A : i32
    %c0_i32 = arith.constant 0 : i32
    %c0_i32_2 = arith.constant 0 : i32
    return %c0_i32, %min3A_1 : i32, i32
  }
  func.func @transform_2(%arg0: i32) -> (i32, i32) {
    %c0_i32 = arith.constant 0 : i32
    %c0_i32_0 = arith.constant 0 : i32
    return %arg0, %c0_i32 : i32, i32
  }
}

module attributes {stable_mosaic.version = 14 : i64} {
  func.func @body(%arg0: i32, %arg1: memref<2048x128xf32, #tpu.memory_space<vmem>>, %arg2: memref<2048x128xf32, #tpu.memory_space<vmem>>, %arg3: memref<2048xi32, #tpu.memory_space<vmem>>, %arg4: memref<2048xi32, #tpu.memory_space<vmem>>, %arg5: memref<64x64xf32, #tpu.memory_space<vmem>>, %arg6: memref<64x1xf32, #tpu.memory_space<vmem>>, %arg7: memref<64x1xf32, #tpu.memory_space<vmem>>, %arg8: memref<1x1xf32, #tpu.memory_space<vmem>>, %arg9: memref<2048xf32, #tpu.memory_space<vmem>>) attributes {dimension_semantics = [#tpu.dimension_semantics<arbitrary>], iteration_bounds = array<i64: 50>, scalar_prefetch = 0 : i64, scratch_operands = 0 : i64, tpu.core_type = #tpu.core_type<tc>, window_params = [{transform_indices = @transform_0, window_bounds = array<i64: 2048, 128>}, {transform_indices = @transform_1, window_bounds = array<i64: 2048, 128>}, {transform_indices = @transform_2, window_bounds = array<i64: 2048>}, {transform_indices = @transform_3, window_bounds = array<i64: 2048>}, {pipeline_mode = #tpu.pipeline_mode<synchronous>, transform_indices = @transform_4, window_bounds = array<i64: 64, 64>}, {pipeline_mode = #tpu.pipeline_mode<synchronous>, transform_indices = @transform_5, window_bounds = array<i64: 64, 1>}, {pipeline_mode = #tpu.pipeline_mode<synchronous>, transform_indices = @transform_6, window_bounds = array<i64: 64, 1>}, {pipeline_mode = #tpu.pipeline_mode<synchronous>, transform_indices = @transform_7, window_bounds = array<i64: 1, 1>}, {transform_indices = @transform_8, window_bounds = array<i64: 2048>}]} {
    %iota3A = tpu.iota {dimensions = array<i32: 0>} : vector<128x128xi32>
    %iota3A_0 = tpu.iota {dimensions = array<i32: 1>} : vector<128x128xi32>
    %add3A = arith.constant 0 : i32
    %add3A_1 = vector.broadcast %add3A : i32 to vector<128x128xi32>
    %add3A_2 = arith.addi %iota3A, %add3A_1 : vector<128x128xi32>
    %eq3A = arith.cmpi eq, %add3A_2, %iota3A_0 : vector<128x128xi32>
    %convert_element_type3A = arith.extui %eq3A : vector<128x128xi1> to vector<128x128xi32>
    %convert_element_type3A_3 = arith.sitofp %convert_element_type3A : vector<128x128xi32> to vector<128x128xf32>
    %get3A = arith.constant 0 : index
    %get3A_4 = arith.constant 0 : index
    %get3A_5 = vector.load %arg1[%get3A, %get3A_4] : memref<2048x128xf32, #tpu.memory_space<vmem>>, vector<2048x128xf32>
    %dot_general3A = arith.constant dense<0.000000e+00> : vector<128x2048xf32>
    %dot_general3A_6 = tpu.matmul %convert_element_type3A_3, %get3A_5, %dot_general3A {dimension_numbers = #tpu.dot_dimension_numbers<[1], [1], [0], [0], [0, 0, 1, 0], [], []>, transpose_lhs_hint = false} : vector<128x128xf32>, vector<2048x128xf32>, vector<128x2048xf32> -> vector<128x2048xf32>
    %get3A_7 = arith.constant 0 : index
    %get3A_8 = arith.constant 0 : index
    %get3A_9 = vector.load %arg2[%get3A_7, %get3A_8] : memref<2048x128xf32, #tpu.memory_space<vmem>>, vector<2048x128xf32>
    %dot_general3A_10 = arith.constant dense<0.000000e+00> : vector<128x2048xf32>
    %dot_general3A_11 = tpu.matmul %convert_element_type3A_3, %get3A_9, %dot_general3A_10 {dimension_numbers = #tpu.dot_dimension_numbers<[1], [1], [0], [0], [0, 0, 1, 0], [], []>, transpose_lhs_hint = false} : vector<128x128xf32>, vector<2048x128xf32>, vector<128x2048xf32> -> vector<128x2048xf32>
    %get3A_12 = arith.constant 0 : index
    %get3A_13 = vector.load %arg3[%get3A_12] : memref<2048xi32, #tpu.memory_space<vmem>>, vector<2048xi32>
    %ge3A = arith.constant 507904 : i32
    %ge3A_14 = vector.broadcast %ge3A : i32 to vector<2048xi32>
    %ge3A_15 = arith.cmpi sge, %get3A_13, %ge3A_14 : vector<2048xi32>
    %convert_element_type3A_16 = arith.extui %ge3A_15 : vector<2048xi1> to vector<2048xi32>
    %convert_element_type3A_17 = arith.sitofp %convert_element_type3A_16 : vector<2048xi32> to vector<2048xf32>
    %reshape3A = vector.shape_cast %convert_element_type3A_17 : vector<2048xf32> to vector<1x2048xf32>
    %get3A_18 = arith.constant 0 : index
    %get3A_19 = vector.load %arg4[%get3A_18] : memref<2048xi32, #tpu.memory_space<vmem>>, vector<2048xi32>
    %ge3A_20 = arith.constant 507904 : i32
    %ge3A_21 = vector.broadcast %ge3A_20 : i32 to vector<2048xi32>
    %ge3A_22 = arith.cmpi sge, %get3A_19, %ge3A_21 : vector<2048xi32>
    %convert_element_type3A_23 = arith.extui %ge3A_22 : vector<2048xi1> to vector<2048xi32>
    %convert_element_type3A_24 = arith.sitofp %convert_element_type3A_23 : vector<2048xi32> to vector<2048xf32>
    %reshape3A_25 = vector.shape_cast %convert_element_type3A_24 : vector<2048xf32> to vector<1x2048xf32>
    %slice3A = vector.extract_strided_slice %dot_general3A_6 {offsets = [0, 0], sizes = [64, 2048], strides = [1, 1]} : vector<128x2048xf32> to vector<64x2048xf32>
    %slice3A_26 = vector.extract_strided_slice %dot_general3A_6 {offsets = [64, 0], sizes = [64, 2048], strides = [1, 1]} : vector<128x2048xf32> to vector<64x2048xf32>
    %slice3A_27 = vector.extract_strided_slice %dot_general3A_6 {offsets = [0, 0], sizes = [64, 2048], strides = [1, 1]} : vector<128x2048xf32> to vector<64x2048xf32>
    %sub3A = arith.subf %slice3A_26, %slice3A_27 : vector<64x2048xf32>
    %mul3A = vector.broadcast %reshape3A : vector<1x2048xf32> to vector<64x2048xf32>
    %mul3A_28 = arith.mulf %mul3A, %sub3A : vector<64x2048xf32>
    %add3A_29 = arith.addf %slice3A, %mul3A_28 : vector<64x2048xf32>
    %slice3A_30 = vector.extract_strided_slice %dot_general3A_11 {offsets = [0, 0], sizes = [64, 2048], strides = [1, 1]} : vector<128x2048xf32> to vector<64x2048xf32>
    %slice3A_31 = vector.extract_strided_slice %dot_general3A_11 {offsets = [64, 0], sizes = [64, 2048], strides = [1, 1]} : vector<128x2048xf32> to vector<64x2048xf32>
    %slice3A_32 = vector.extract_strided_slice %dot_general3A_11 {offsets = [0, 0], sizes = [64, 2048], strides = [1, 1]} : vector<128x2048xf32> to vector<64x2048xf32>
    %sub3A_33 = arith.subf %slice3A_31, %slice3A_32 : vector<64x2048xf32>
    %mul3A_34 = vector.broadcast %reshape3A_25 : vector<1x2048xf32> to vector<64x2048xf32>
    %mul3A_35 = arith.mulf %mul3A_34, %sub3A_33 : vector<64x2048xf32>
    %add3A_36 = arith.addf %slice3A_30, %mul3A_35 : vector<64x2048xf32>
    %get3A_37 = arith.constant 0 : index
    %get3A_38 = arith.constant 0 : index
    %get3A_39 = vector.load %arg5[%get3A_37, %get3A_38] : memref<64x64xf32, #tpu.memory_space<vmem>>, vector<64x64xf32>
    %dot_general3A_40 = arith.constant dense<0.000000e+00> : vector<64x2048xf32>
    %dot_general3A_41 = tpu.matmul %get3A_39, %add3A_29, %dot_general3A_40 {dimension_numbers = #tpu.dot_dimension_numbers<[0], [0], [1], [1], [0, 1, 1, 1], [], []>, transpose_lhs_hint = false} : vector<64x64xf32>, vector<64x2048xf32>, vector<64x2048xf32> -> vector<64x2048xf32>
    %get3A_42 = arith.constant 0 : index
    %get3A_43 = arith.constant 0 : index
    %get3A_44 = vector.load %arg7[%get3A_42, %get3A_43] : memref<64x1xf32, #tpu.memory_space<vmem>>, vector<64x1xf32>
    %add3A_45 = vector.broadcast %get3A_44 : vector<64x1xf32> to vector<64x2048xf32>
    %add3A_46 = arith.addf %dot_general3A_41, %add3A_45 : vector<64x2048xf32>
    %mul3A_47 = arith.mulf %add3A_46, %add3A_36 : vector<64x2048xf32>
    %reduce_sum3A = arith.constant dense<0.000000e+00> : vector<2048xf32>
    %reduce_sum3A_48 = vector.multi_reduction <add>, %mul3A_47, %reduce_sum3A [0] : vector<64x2048xf32> to vector<2048xf32>
    %get3A_49 = arith.constant 0 : index
    %get3A_50 = arith.constant 0 : index
    %get3A_51 = vector.load %arg6[%get3A_49, %get3A_50] : memref<64x1xf32, #tpu.memory_space<vmem>>, vector<64x1xf32>
    %mul3A_52 = vector.broadcast %get3A_51 : vector<64x1xf32> to vector<64x2048xf32>
    %mul3A_53 = arith.mulf %mul3A_52, %add3A_29 : vector<64x2048xf32>
    %reduce_sum3A_54 = arith.constant dense<0.000000e+00> : vector<2048xf32>
    %reduce_sum3A_55 = vector.multi_reduction <add>, %mul3A_53, %reduce_sum3A_54 [0] : vector<64x2048xf32> to vector<2048xf32>
    %add3A_56 = arith.addf %reduce_sum3A_48, %reduce_sum3A_55 : vector<2048xf32>
    %get3A_57 = arith.constant 0 : index
    %get3A_58 = arith.constant 0 : index
    %get3A_59 = vector.load %arg8[%get3A_57, %get3A_58] : memref<1x1xf32, #tpu.memory_space<vmem>>, vector<1x1xf32>
    %get3A_60 = vector.extract %get3A_59[0, 0] : f32 from vector<1x1xf32>
    %add3A_61 = vector.broadcast %get3A_60 : f32 to vector<2048xf32>
    %add3A_62 = arith.addf %add3A_56, %add3A_61 : vector<2048xf32>
    %swap3A = arith.constant 0 : index
    %swap3A_63 = vector.load %arg9[%swap3A] : memref<2048xf32, #tpu.memory_space<vmem>>, vector<2048xf32>
    tpu.vector_store %arg9[%swap3A], %add3A_62 {strides = array<i32>} : memref<2048xf32, #tpu.memory_space<vmem>>, vector<2048xf32>,
    return
  }
  func.func @transform_0(%arg0: i32) -> (i32, i32) {
    %c0_i32 = arith.constant 0 : i32
    %c0_i32_0 = arith.constant 0 : i32
    return %arg0, %c0_i32 : i32, i32
  }
  func.func @transform_1(%arg0: i32) -> (i32, i32) {
    %c0_i32 = arith.constant 0 : i32
    %c0_i32_0 = arith.constant 0 : i32
    return %arg0, %c0_i32 : i32, i32
  }
  func.func @transform_2(%arg0: i32) -> i32 {
    %c0_i32 = arith.constant 0 : i32
    return %arg0 : i32
  }
  func.func @transform_3(%arg0: i32) -> i32 {
    %c0_i32 = arith.constant 0 : i32
    return %arg0 : i32
  }
  func.func @transform_4(%arg0: i32) -> (i32, i32) {
    %c0_i32 = arith.constant 0 : i32
    %c0_i32_0 = arith.constant 0 : i32
    %c0_i32_1 = arith.constant 0 : i32
    return %c0_i32, %c0_i32_0 : i32, i32
  }
  func.func @transform_5(%arg0: i32) -> (i32, i32) {
    %c0_i32 = arith.constant 0 : i32
    %c0_i32_0 = arith.constant 0 : i32
    %c0_i32_1 = arith.constant 0 : i32
    return %c0_i32, %c0_i32_0 : i32, i32
  }
  func.func @transform_6(%arg0: i32) -> (i32, i32) {
    %c0_i32 = arith.constant 0 : i32
    %c0_i32_0 = arith.constant 0 : i32
    %c0_i32_1 = arith.constant 0 : i32
    return %c0_i32, %c0_i32_0 : i32, i32
  }
  func.func @transform_7(%arg0: i32) -> (i32, i32) {
    %c0_i32 = arith.constant 0 : i32
    %c0_i32_0 = arith.constant 0 : i32
    %c0_i32_1 = arith.constant 0 : i32
    return %c0_i32, %c0_i32_0 : i32, i32
  }
  func.func @transform_8(%arg0: i32) -> i32 {
    %c0_i32 = arith.constant 0 : i32
    return %arg0 : i32
  }
}

</mosaic_0001>

<sc_bundles>
// kernel: kernel.10.cloned.1.call-start
scs
__scs_entry_jumppad:
0x0: {  	(pc) =	sbr.rel $0x88, $3  }
0x1: {  	(tag) =	ssettag $0x0;
	lr =	simm.s32 $0x1  }
0x2: {  	[smem:$0x3F9C] =	sst lr;
	_ =	strace $0xD0000000  }
0x3: {  	_ = 	snop  }
0x4: {  	_ = 	snop  }
0x5: {  	_ = 	snop  }
0x6: {  	_ = 	snop  }
0x7: {  	_ = 	snop  }
__scs_overlays_trampoline_lowered:
0x8: {  	[smem:$0x3FAB] =	sst s0  }
0x9: {  	[smem:$0x3FAC] =	sst s1  }
0xa: {  	[smem:$0x3FAD] =	sst s2  }
0xb: {  	[smem:$0x3FAE] =	sst s3  }
0xc: {  	[smem:$0x3FAF] =	sst s4  }
0xd: {  	[smem:$0x3FB0] =	sst s5  }
0xe: {  	[smem:$0x3FB1] =	sst s6  }
0xf: {  	[smem:$0x3FB2] =	sst s7  }
0x10: {  	[smem:$0x3FB3] =	sst s8  }
0x11: {  	[smem:$0x3FB4] =	sst s9;
	s0 =	simm.s32 @!p0 $0x0  }
0x12: {  	s1 =	sld [smem:$0x3F9A];
	s0 =	simm.s32 @p0 $0x1  }
0x13: {  	[smem:$0x3FB5] =	sst s0;
	s0 =	simm.s32 @!p1 $0x0  }
0x14: {  	s2 =	sld [smem:$0x3F99];
	s0 =	simm.s32 @p1 $0x1  }
0x15: {  	[smem:$0x3FB6] =	sst s0;
	s0 =	simm.s32 @!p2 $0x0  }
0x16: {  	s3 =	sld [smem:$0x3FDB];
	s0 =	simm.s32 @p2 $0x1  }
0x17: {  	s4 =	simm.s32 $0x1BF5;
	[smem:$0x3FB8] =	sst s0  }
0x18: {  	s0 =	sld [smem:$0x3F9B];
	_ =	swait.ge [sflag:s4], $0x0  }
0x19: {  	s7 =	sld [smem:$0x3F9C]  }
0x1a: {  	s8 =	sadd.s32 $0xFFFFE003, lr  }
0x1b: {  	s9 =	sadd.s32 $0xFFFFFEF7, lr;
	s5 =	simm.s32 $0xFFFFFFFF;
	p2 =	slt.u32 s8, $0xFFFFF086  }
0x1c: {  	p1 =	slt.u32 s9, $0xF7A;
	s5 =	simm.s32 @!p2 $0x0  }
0x1d: {  	s5 =	simm.s32 @p1 $0x1;
	p0 =	seq.s32 s7, s2  }
0x1e: {  	s7 =	smul.u32 @!p0 $0xF7A, s2;
	p2 =	seq.s32 @!p0 s5, $0x0  }
0x1f: {  	s9 =	smul.u32 $0xF7A, s1;
	s8 =	simm.s32 @!p0 $0x1BF5;
	p2 =	por !p2, p0  }
0x20: {  	[sflag:s8] =	ssyncset.s32 @!p0 $0xFFFFF086;
	s6 =	sadd.s32 @!p0 s3, s7;
	s7 =	simm.s32 @!p0 $0x108  }
0x21: {  	s3 =	sadd.s32 s3, s9;
	s6 =	sadd.s32 @!p0 $0x88, s6;
	s7 =	simm.s32 @p2 $0x1082  }
0x22: {  	[simem:s7], [sflag:s8] =	dma.local @!p0 [hbm:s6], $0xF7A  }
0x23: {  	s9 =	sor.u32 $0xD0000000, s2;
	s6 =	simm.s32 $0x108;
	_ =	swait.ge @!p0 [sflag:s8], $0x0  }
0x24: {  	s3 =	sadd.s32 $0x88, s3;
	s6 =	simm.s32 @!p1 $0x1082;
	[sflag:s4] =	ssyncset.s32 $0xFFFFF086  }
0x25: {  	[simem:s6], [sflag:s4] =	dma.local [hbm:s3], $0xF7A  }
0x26: {  	[smem:$0x3F9C] =	sst s1;
	(tag) =	ssettag s2;
	_ =	strace s9  }
0x27: {  	s1 =	sld [smem:$0x3FAC]  }
0x28: {  	s2 =	sld [smem:$0x3FAD]  }
0x29: {  	s4 =	sld [smem:$0x3FAF]  }
0x2a: {  	p0 =	seq.s32 s5, $0x0;
	s5 =	sld [smem:$0x3FB0]  }
0x2b: {  	s6 =	sld [smem:$0x3FB1]  }
0x2c: {  	s7 =	sld [smem:$0x3FB2]  }
0x2d: {  	s3 =	simm.s32 $0x108;
	s8 =	sld [smem:$0x3FB3]  }
0x2e: {  	s3 =	simm.s32 @!p0 $0x1082;
	s9 =	sld [smem:$0x3FB4]  }
0x2f: {  	lr =	sadd.s32 s0, s3;
	s0 =	sld [smem:$0x3FAB]  }
0x30: {  	s3 =	sld [smem:$0x3FAE]  }
0x31: {  	[smem:$0x3FB7] =	sst s10  }
0x32: {  	s10 =	sld [smem:$0x3FB5];
	_ =	sdelay $0x3  }
0x33: {  	p0 =	seq.s32 s10, $0x1;
	s10 =	sld [smem:$0x3FB7];
	_ =	sdelay $0x3  }
0x34: {  	[smem:$0x3FB7] =	sst s10  }
0x35: {  	s10 =	sld [smem:$0x3FB6];
	_ =	sdelay $0x3  }
0x36: {  	p1 =	seq.s32 s10, $0x1;
	s10 =	sld [smem:$0x3FB7];
	_ =	sdelay $0x3  }
0x37: {  	[smem:$0x3FB7] =	sst s10  }
0x38: {  	s10 =	sld [smem:$0x3FB8]  }
0x39: {  	_ = 	snop;
	(pc) =	sbr.ind lr, $3  }
0x3a: {  	_ = 	snop  }
0x3b: {  	_ = 	snop  }
0x3c: {  	p2 =	seq.s32 s10, $0x1;
	s10 =	sld [smem:$0x3FB7]  }
0x3d: {  	_ =	shalt  }
0x3e: {  	_ =	shalt  }
0x3f: {  	_ =	shalt  }
0x40: {  	_ =	shalt  }
0x41: {  	_ =	shalt  }
0x42: {  	_ =	shalt  }
0x43: {  	_ =	shalt  }
0x44: {  	_ =	shalt  }
0x45: {  	_ =	shalt  }
0x46: {  	_ =	shalt  }
0x47: {  	_ =	shalt  }
0x48: {  	_ =	shalt  }
0x49: {  	_ =	shalt  }
0x4a: {  	_ =	shalt  }
0x4b: {  	_ =	shalt  }
0x4c: {  	_ =	shalt  }
0x4d: {  	_ =	shalt  }
0x4e: {  	_ =	shalt  }
0x4f: {  	_ =	shalt  }
0x50: {  	_ =	shalt  }
0x51: {  	_ =	shalt  }
0x52: {  	_ =	shalt  }
0x53: {  	_ =	shalt  }
0x54: {  	_ =	shalt  }
0x55: {  	_ =	shalt  }
0x56: {  	_ =	shalt  }
0x57: {  	_ =	shalt  }
0x58: {  	_ =	shalt  }
0x59: {  	_ =	shalt  }
0x5a: {  	_ =	shalt  }
0x5b: {  	_ =	shalt  }
0x5c: {  	_ =	shalt  }
0x5d: {  	_ =	shalt  }
0x5e: {  	_ =	shalt  }
0x5f: {  	_ =	shalt  }
0x60: {  	_ =	shalt  }
0x61: {  	_ =	shalt  }
0x62: {  	_ =	shalt  }
0x63: {  	_ =	shalt  }
0x64: {  	_ =	shalt  }
0x65: {  	_ =	shalt  }
0x66: {  	_ =	shalt  }
0x67: {  	_ =	shalt  }
0x68: {  	_ =	shalt  }
0x69: {  	_ =	shalt  }
0x6a: {  	_ =	shalt  }
0x6b: {  	_ =	shalt  }
0x6c: {  	_ =	shalt  }
0x6d: {  	_ =	shalt  }
0x6e: {  	_ =	shalt  }
0x6f: {  	_ =	shalt  }
0x70: {  	_ =	shalt  }
0x71: {  	_ =	shalt  }
0x72: {  	_ =	shalt  }
0x73: {  	_ =	shalt  }
0x74: {  	_ =	shalt  }
0x75: {  	_ =	shalt  }
0x76: {  	_ =	shalt  }
0x77: {  	_ =	shalt  }
0x78: {  	_ =	shalt  }
0x79: {  	_ =	shalt  }
0x7a: {  	_ =	shalt  }
0x7b: {  	_ =	shalt  }
0x7c: {  	_ =	shalt  }
0x7d: {  	_ =	shalt  }
0x7e: {  	_ =	shalt  }
0x7f: {  	_ =	shalt  }
0x80: {  	_ =	shalt  }
0x81: {  	_ =	shalt  }
0x82: {  	_ =	shalt  }
0x83: {  	_ =	shalt  }
0x84: {  	_ =	shalt  }
0x85: {  	_ =	shalt  }
0x86: {  	_ =	shalt  }
0x87: {  	_ =	shalt  }
.Lfunc_end0:
.L_simem_size_0:
called_computation.1_lowered:
.L_overlay_start_0:
0x88: {  	s2 =	sld [smem:$0x3FD9]  }
0x89: {  	s3 =	sld [smem:$0x3FFE];
	_ =	sdelay $0x1  }
0x8a: {  	s1 =	srdreg.scid  }
0x8b: {  	s0 =	sand.u32 $0x1, s1  }
0x8c: {  	s16 =	sshll.u32 s0, $0xA;
	s2 =	sadd.s32 s3, s2  }
0x8d: {  	s2 =	sadd.s32 s2, s16  }
0x8e: {  	[smem:$0x3FC3] =	sst s2  }
0x8f: {  	_ = 	snop  }
0x90: {  	(tm) =	ssettm $0x1  }
0x91: {  	s17 =	sld [smem:$0x3FFB];
	_ =	sdelay $0x3  }
0x92: {  	_ =	strace s17  }
0x93: {  	s2 =	sld [smem:$0x3FFC];
	_ =	sdelay $0x3  }
0x94: {  	_ =	strace s2  }
0x95: {  	s2 =	sld [smem:$0x3FFD];
	_ =	sdelay $0x3  }
0x96: {  	_ =	strace s2  }
0x97: {  	_ =	strace $0x8FFFFFFF  }
0x98: {  	s18 =	sld [smem:$0x3FDB];
	_ =	sdelay $0x1  }
0x99: {  	s19 =	simm.s32 $_scs_section_size  }
0x9a: {  	s4 =	simm.s32 $_size__tile_overlayer_lowered;
	s5 =	simm.s32 $_tile_overlayer_lowered  }
0x9b: {  	s22 =	simm.s32 $0x1BFF;
	s21 =	sshll.u32 s5, $0x1;
	s2 =	sadd.s32 s19, s18  }
0x9c: {  	s6 =	simm.s32 $0x0;
	s20 =	sshll.u32 s4, $0x1;
	s4 =	sadd.s32 s21, s2  }
0x9d: {  	[timem:s6], [sflag:s22] =	dma.local [hbm:s4], s20  }
0x9e: {  	_ =	swait.ge [sflag:s22], s20  }
0x9f: {  	s3 =	ssub.s32 $0x0, s20;
	[sflag:s22] =	ssyncset.done $0x0  }
0xa0: {  	[sflag:s22] =	ssyncadd.s32 s3;
	_ =	sdelay $0x1  }
0xa1: {  	s23 =	simm.s32 $0x1B8B  }
0xa2: {  	_ =	swait.ge [sflag:s23], $0x1  }
0xa3: {  	[sflag:s23] =	ssyncset.done $0x0  }
0xa4: {  	s25 =	simm.s32 $0x1B8E;
	s24 =	sld [smem:$0x3FFE];
	[sflag:s23] =	ssyncadd.s32 $0xFFFFFFFF  }
0xa5: {  	s26 =	simm.s32 $execute0_lowered;
	[smem:$0x3FD2] =	sst s25  }
0xa6: {  	s4 =	sshll.u32 s26, $0x1;
	_ =	strace $0x80000046;
	[dreg:$0x1] =	wrdreg $0xFFFFFFFF  }
0xa7: {  	s28 =	simm.s32 $_size_execute0_lowered;
	s2 =	sadd.s32 s2, s4;
	[dreg:$0x0] =	wrdreg $0x0  }
0xa8: {  	s4 =	sshll.u32 s28, $0x1;
	[dreg:$0x2] =	wrdreg s2  }
0xa9: {  	[dreg:$0x3] =	wrdreg s4  }
0xaa: {  	[dreg:$0x4] =	wrdreg $0xC0  }
0xab: {  	_ =	task [dreg:s6], $0x5FFFF  }
0xac: {  	[dreg:$0x1] =	wrdreg $0xFFFFFFFF  }
0xad: {  	[dreg:$0x0] =	wrdreg $0x60  }
0xae: {  	[dreg:$0x2] =	wrdreg s24  }
0xaf: {  	[dreg:$0x3] =	wrdreg $0xA  }
0xb0: {  	_ =	task.clear_ibuf [dreg:s6], $0x4FFFF;
	_ =	strace $0x90000046  }
0xb1: {  	s29 =	simm.s32 $0xA;
	_ =	strace $0x80000048  }
0xb2: {  	_ =	swait.ge [sflag:s29], $0x1  }
0xb3: {  	[sflag:s29] =	ssyncadd.s32 $0xFFFFFFFF  }
0xb4: {  	_ =	strace $0x90000048  }
0xb5: {  	_ =	sfence  }
0xb6: {  	s30 =	sld [smem:$0x0];
	_ =	sdelay $0x2  }
0xb7: {  	s31 =	sshll.u32 s1, $0xD;
	s1 =	sshrl.u32 s1, $0x2  }
0xb8: {  	s3 =	sand.u32 $0x4000, s31;
	s1 =	sadd.s32 s1, s30  }
0xb9: {  	s0 =	sor.u32 s3, s0;
	s1 =	sshll.u32 s1, $0x11  }
0xba: {  	s0 =	sor.u32 s1, s0  }
0xbb: {  	s0 =	sadd.s32 $0x8F2B, s0  }
0xbc: {  	[sflag:s0] =	ssyncadd.remote.s32 $0x1  }
0xbd: {  	_ =	sfence.sel $0xFFFF  }
0xbe: {  	[dreg:$0x0] =	wrdreg $0xFFFFFFFF;
	(pc) =	sbr.abs _section_cstart, $3  }
0xbf: {  	[dreg:$0x1] =	wrdreg $0xFFFFFFFF  }
0xc0: {  	_ =	task.clear_ibuf [dreg:s6], $0x2FFFF;
	_ =	strace $0x9FFFFFFF  }
0xc1: {  	(tm) =	ssettm $0x7FFFFFFF  }
tec
execute0_lowered:
.L_overlay_start_1:
0x0: {  	(tag) =	ssettag $0x1  }
0x1: {  	s0 =	srdreg.scid  }
0x2: {  	s1 =	sand.u32 $0x1, s0  }
0x3: {  	s19 =	stileid.u32;
	s2 =	sshll.u32 s1, $0x4  }
0x4: {  	s4 =	rddreg [dreg:$0x0];
	s3 =	sor.u32 s19, s2  }
0x5: {  	s28 =	sadd.s32 $0x7C1400, s4;
	s5 =	smul.u32 $0x28, s3  }
0x6: {  	[dreg:$0x8] =	wrdreg s1;
	s2 =	simm.s32 $0x0;
	s29 =	smul.u32 $0x140, s3  }
0x7: {  	s31 =	sadd.s32 $0x7CDC00, s4;
	[smem:$0x7FF] =	sst s2;
	s3 =	smul.u32 $0x1400, s3  }
0x8: {  	_ =	strace $0x80000047;
	s5 =	sadd.s32 s28, s5;
	s6 =	sadd.s32 $0x2800, s29  }
0x9: {  	s17 =	sadd.s32 $0x5000, s29;
	s3 =	sadd.s32 s31, s3;
	[dreg:$0x2] =	wrdreg s5  }
0xa: {  	s20 =	sshrl.u32 s6, $0x3;
	s7 =	sshrl.u32 s17, $0x3;
	[dreg:$0x5] =	wrdreg s3  }
0xb: {  	s23 =	sshll.u32 s6, $0x4;
	s5 =	sadd.s32 s28, s20;
	s24 =	rddreg [dreg:$0x2]  }
0xc: {  	s21 =	sadd.s32 s28, s7;
	s20 =	sadd.s32 $0x7800, s29;
	[dreg:$0x3] =	wrdreg s5  }
0xd: {  	s25 =	sadd.s32 s31, s23;
	[dreg:$0x4] =	wrdreg s21;
	s22 =	sshrl.u32 s20, $0x3  }
0xe: {  	[tilespmem:s2], [sflag:$0x7] =	stream.linear.gather [hbm4b:s24+s2], $0x140, $0x38;
	[tilespmem:$0x1E480] =	vst v63  }
0xf: {  	[dreg:$0x7] =	wrdreg s25;
	s3 =	sadd.s32 s28, s22  }
0x10: {  	[dreg:$0x6] =	wrdreg s3;
	s3 =	simm.s32 $0x7  }
0x11: {  	_ =	swait.ge [sflag:s3], $0x140  }
0x12: {  	s4 =	sadd.s32 $0x1400, s4;
	[sflag:s3] =	ssyncset.done $0x0  }
0x13: {  	s6 =	simm.s32 $0x480;
	s5 =	simm.s32 $0x140;
	[sflag:s3] =	ssyncadd.s32 $0xFFFFFEC0  }
0x14: {  	[tilespmem:s6], [sflag:$0x1] =	stream.indirect.gather [hbm4b:s4+s5], $0x80, s2, s5, $0xb8;
	[tilespmem:$0x1E480] =	vst v63  }
0x15: {  	s7 =	simm.s32 $0x180;
	s8 =	rddreg [dreg:$0x3]  }
0x16: {  	[tilespmem:s7], [sflag:$0x7] =	stream.linear.gather [hbm4b:s8+s2], $0x140, $0x38;
	[tilespmem:$0x1E480] =	vst v63  }
0x17: {  	_ =	swait.ge [sflag:s3], $0x140  }
0x18: {  	[sflag:s3] =	ssyncset.done $0x0  }
0x19: {  	s8 =	simm.s32 $0xA480;
	[sflag:s3] =	ssyncadd.s32 $0xFFFFFEC0  }
0x1a: {  	[tilespmem:s8], [sflag:$0x2] =	stream.indirect.gather [hbm4b:s4+s5], $0x80, s7, s5, $0xb8;
	[tilespmem:$0x1E480] =	vst v63  }
0x1b: {  	s9 =	simm.s32 $0x300;
	s10 =	rddreg [dreg:$0x4]  }
0x1c: {  	[tilespmem:s9], [sflag:$0x7] =	stream.linear.gather [hbm4b:s10+s2], $0x140, $0x38;
	[tilespmem:$0x1E480] =	vst v63  }
0x1d: {  	_ =	swait.ge [sflag:s3], $0x140  }
0x1e: {  	[sflag:s3] =	ssyncset.done $0x0  }
0x1f: {  	s11 =	simm.s32 $0x1;
	s10 =	simm.s32 $0x14480;
	[sflag:s3] =	ssyncadd.s32 $0xFFFFFEC0  }
0x20: {  	[tilespmem:s10], [sflag:$0x3] =	stream.indirect.gather [hbm4b:s4+s5], $0x80, s9, s5, $0xb8;
	[tilespmem:$0x1E480] =	vst v63  }
0x21: {  	_ =	swait.ge [sflag:s11], $0xA000  }
0x22: {  	[sflag:s11] =	ssyncset.done $0x0  }
0x23: {  	s12 =	simm.s32 $0x4;
	s13 =	rddreg [dreg:$0x5];
	[sflag:s11] =	ssyncadd.s32 $0xFFFF6000  }
0x24: {  	[hbm4b:s13+s2] =	stream.linear.scatter [tilespmem:s6], [sflag:$0x4], $0xA000, $0x38;
	[tilespmem:$0x1E480] =	vst v63  }
0x25: {  	_ =	swait.ge [sflag:s12], $0xA000  }
0x26: {  	[sflag:s12] =	ssyncset.done $0x0  }
0x27: {  	s26 =	rddreg [dreg:$0x6];
	[sflag:s12] =	ssyncadd.s32 $0xFFFF6000  }
0x28: {  	[tilespmem:s2], [sflag:$0x7] =	stream.linear.gather [hbm4b:s26+s2], $0x140, $0x38;
	[tilespmem:$0x1E480] =	vst v63  }
0x29: {  	_ =	swait.ge [sflag:s3], $0x140  }
0x2a: {  	[sflag:s3] =	ssyncset.done $0x0  }
0x2b: {  	s13 =	simm.s32 $0x2;
	[sflag:s3] =	ssyncadd.s32 $0xFFFFFEC0  }
0x2c: {  	[tilespmem:s6], [sflag:$0x1] =	stream.indirect.gather [hbm4b:s4+s5], $0x80, s2, s5, $0xb8;
	[tilespmem:$0x1E480] =	vst v63  }
0x2d: {  	_ =	swait.ge [sflag:s13], $0xA000  }
0x2e: {  	[sflag:s13] =	ssyncset.done $0x0  }
0x2f: {  	s14 =	simm.s32 $0x5;
	s15 =	rddreg [dreg:$0x7];
	[sflag:s13] =	ssyncadd.s32 $0xFFFF6000  }
0x30: {  	[hbm4b:s15+s2] =	stream.linear.scatter [tilespmem:s8], [sflag:$0x5], $0xA000, $0x38;
	[tilespmem:$0x1E480] =	vst v63  }
0x31: {  	s22 =	sadd.s32 $0xA000, s29;
	_ =	swait.ge [sflag:s14], $0xA000  }
0x32: {  	s0 =	sshrl.u32 s22, $0x3;
	[sflag:s14] =	ssyncset.done $0x0  }
0x33: {  	s15 =	sadd.s32 s28, s0;
	[sflag:s14] =	ssyncadd.s32 $0xFFFF6000  }
0x34: {  	[tilespmem:s7], [sflag:$0x7] =	stream.linear.gather [hbm4b:s15+s2], $0x140, $0x38;
	[tilespmem:$0x1E480] =	vst v63  }
0x35: {  	_ =	swait.ge [sflag:s3], $0x140  }
0x36: {  	[sflag:s3] =	ssyncset.done $0x0  }
0x37: {  	s16 =	simm.s32 $0x3;
	[sflag:s3] =	ssyncadd.s32 $0xFFFFFEC0  }
0x38: {  	[tilespmem:s8], [sflag:$0x2] =	stream.indirect.gather [hbm4b:s4+s5], $0x80, s7, s5, $0xb8;
	[tilespmem:$0x1E480] =	vst v63  }
0x39: {  	_ =	swait.ge [sflag:s16], $0xA000  }
0x3a: {  	s17 =	sshll.u32 s17, $0x4;
	[sflag:s16] =	ssyncset.done $0x0  }
0x3b: {  	s18 =	simm.s32 $0x6;
	s17 =	sadd.s32 s31, s17;
	[sflag:s16] =	ssyncadd.s32 $0xFFFF6000  }
0x3c: {  	[hbm4b:s17+s2] =	stream.linear.scatter [tilespmem:s10], [sflag:$0x6], $0xA000, $0x38;
	[tilespmem:$0x1E480] =	vst v63  }
0x3d: {  	s24 =	sadd.s32 $0xC800, s29;
	_ =	swait.ge [sflag:s18], $0xA000  }
0x3e: {  	s19 =	sshrl.u32 s24, $0x3;
	[sflag:s18] =	ssyncset.done $0x0  }
0x3f: {  	s19 =	sadd.s32 s28, s19;
	[sflag:s18] =	ssyncadd.s32 $0xFFFF6000  }
0x40: {  	[tilespmem:s9], [sflag:$0x7] =	stream.linear.gather [hbm4b:s19+s2], $0x140, $0x38;
	[tilespmem:$0x1E480] =	vst v63  }
0x41: {  	_ =	swait.ge [sflag:s3], $0x140  }
0x42: {  	[sflag:s3] =	ssyncset.done $0x0  }
0x43: {  	[sflag:s3] =	ssyncadd.s32 $0xFFFFFEC0  }
0x44: {  	[tilespmem:s10], [sflag:$0x3] =	stream.indirect.gather [hbm4b:s4+s5], $0x80, s9, s5, $0xb8;
	[tilespmem:$0x1E480] =	vst v63  }
0x45: {  	_ =	swait.ge [sflag:s11], $0xA000  }
0x46: {  	s20 =	sshll.u32 s20, $0x4;
	[sflag:s11] =	ssyncset.done $0x0  }
0x47: {  	s20 =	sadd.s32 s31, s20;
	[sflag:s11] =	ssyncadd.s32 $0xFFFF6000  }
0x48: {  	[hbm4b:s20+s2] =	stream.linear.scatter [tilespmem:s6], [sflag:$0x4], $0xA000, $0x38;
	[tilespmem:$0x1E480] =	vst v63  }
0x49: {  	s26 =	sadd.s32 $0xF000, s29;
	_ =	swait.ge [sflag:s12], $0xA000  }
0x4a: {  	s21 =	sshrl.u32 s26, $0x3;
	[sflag:s12] =	ssyncset.done $0x0  }
0x4b: {  	s21 =	sadd.s32 s28, s21;
	[sflag:s12] =	ssyncadd.s32 $0xFFFF6000  }
0x4c: {  	[tilespmem:s2], [sflag:$0x7] =	stream.linear.gather [hbm4b:s21+s2], $0x140, $0x38;
	[tilespmem:$0x1E480] =	vst v63  }
0x4d: {  	_ =	swait.ge [sflag:s3], $0x140  }
0x4e: {  	[sflag:s3] =	ssyncset.done $0x0  }
0x4f: {  	[sflag:s3] =	ssyncadd.s32 $0xFFFFFEC0  }
0x50: {  	[tilespmem:s6], [sflag:$0x1] =	stream.indirect.gather [hbm4b:s4+s5], $0x80, s2, s5, $0xb8;
	[tilespmem:$0x1E480] =	vst v63  }
0x51: {  	_ =	swait.ge [sflag:s13], $0xA000  }
0x52: {  	s22 =	sshll.u32 s22, $0x4;
	[sflag:s13] =	ssyncset.done $0x0  }
0x53: {  	s22 =	sadd.s32 s31, s22;
	[sflag:s13] =	ssyncadd.s32 $0xFFFF6000  }
0x54: {  	[hbm4b:s22+s2] =	stream.linear.scatter [tilespmem:s8], [sflag:$0x5], $0xA000, $0x38;
	[tilespmem:$0x1E480] =	vst v63  }
0x55: {  	s30 =	sadd.s32 $0x11800, s29;
	_ =	swait.ge [sflag:s14], $0xA000  }
0x56: {  	s23 =	sshrl.u32 s30, $0x3;
	[sflag:s14] =	ssyncset.done $0x0  }
0x57: {  	s23 =	sadd.s32 s28, s23;
	[sflag:s14] =	ssyncadd.s32 $0xFFFF6000  }
0x58: {  	[tilespmem:s7], [sflag:$0x7] =	stream.linear.gather [hbm4b:s23+s2], $0x140, $0x38;
	[tilespmem:$0x1E480] =	vst v63  }
0x59: {  	_ =	swait.ge [sflag:s3], $0x140  }
0x5a: {  	[sflag:s3] =	ssyncset.done $0x0  }
0x5b: {  	[sflag:s3] =	ssyncadd.s32 $0xFFFFFEC0  }
0x5c: {  	[tilespmem:s8], [sflag:$0x2] =	stream.indirect.gather [hbm4b:s4+s5], $0x80, s7, s5, $0xb8;
	[tilespmem:$0x1E480] =	vst v63  }
0x5d: {  	_ =	swait.ge [sflag:s16], $0xA000  }
0x5e: {  	s24 =	sshll.u32 s24, $0x4;
	[sflag:s16] =	ssyncset.done $0x0  }
0x5f: {  	s24 =	sadd.s32 s31, s24;
	[sflag:s16] =	ssyncadd.s32 $0xFFFF6000  }
0x60: {  	[hbm4b:s24+s2] =	stream.linear.scatter [tilespmem:s10], [sflag:$0x6], $0xA000, $0x38;
	[tilespmem:$0x1E480] =	vst v63  }
0x61: {  	s1 =	sor.u32 $0x14000, s29;
	_ =	swait.ge [sflag:s18], $0xA000  }
0x62: {  	s25 =	sshrl.u32 s1, $0x3;
	[sflag:s18] =	ssyncset.done $0x0  }
0x63: {  	s25 =	sadd.s32 s28, s25;
	[sflag:s18] =	ssyncadd.s32 $0xFFFF6000  }
0x64: {  	[tilespmem:s9], [sflag:$0x7] =	stream.linear.gather [hbm4b:s25+s2], $0x140, $0x38;
	[tilespmem:$0x1E480] =	vst v63  }
0x65: {  	_ =	swait.ge [sflag:s3], $0x140  }
0x66: {  	[sflag:s3] =	ssyncset.done $0x0  }
0x67: {  	[sflag:s3] =	ssyncadd.s32 $0xFFFFFEC0  }
0x68: {  	[tilespmem:s10], [sflag:$0x3] =	stream.indirect.gather [hbm4b:s4+s5], $0x80, s9, s5, $0xb8;
	[tilespmem:$0x1E480] =	vst v63  }
0x69: {  	_ =	swait.ge [sflag:s11], $0xA000  }
0x6a: {  	s26 =	sshll.u32 s26, $0x4;
	[sflag:s11] =	ssyncset.done $0x0  }
0x6b: {  	s26 =	sadd.s32 s31, s26;
	[sflag:s11] =	ssyncadd.s32 $0xFFFF6000  }
0x6c: {  	[hbm4b:s26+s2] =	stream.linear.scatter [tilespmem:s6], [sflag:$0x4], $0xA000, $0x38;
	[tilespmem:$0x1E480] =	vst v63  }
0x6d: {  	s0 =	sadd.s32 $0x16800, s29;
	_ =	swait.ge [sflag:s12], $0xA000  }
0x6e: {  	s29 =	sshrl.u32 s0, $0x3;
	[sflag:s12] =	ssyncset.done $0x0  }
0x6f: {  	s28 =	sadd.s32 s28, s29;
	[sflag:s12] =	ssyncadd.s32 $0xFFFF6000  }
0x70: {  	[tilespmem:s2], [sflag:$0x7] =	stream.linear.gather [hbm4b:s28+s2], $0x140, $0x38;
	[tilespmem:$0x1E480] =	vst v63  }
0x71: {  	_ =	swait.ge [sflag:s3], $0x140  }
0x72: {  	[sflag:s3] =	ssyncset.done $0x0  }
0x73: {  	[sflag:s3] =	ssyncadd.s32 $0xFFFFFEC0  }
0x74: {  	[tilespmem:s6], [sflag:$0x1] =	stream.indirect.gather [hbm4b:s4+s5], $0x80, s2, s5, $0xb8;
	[tilespmem:$0x1E480] =	vst v63  }
0x75: {  	_ =	swait.ge [sflag:s13], $0xA000  }
0x76: {  	s29 =	sshll.u32 s30, $0x4;
	[sflag:s13] =	ssyncset.done $0x0  }
0x77: {  	s29 =	sadd.s32 s31, s29;
	[sflag:s13] =	ssyncadd.s32 $0xFFFF6000  }
0x78: {  	[hbm4b:s29+s2] =	stream.linear.scatter [tilespmem:s8], [sflag:$0x5], $0xA000, $0x38;
	[tilespmem:$0x1E480] =	vst v63  }
0x79: {  	_ =	swait.ge [sflag:s16], $0xA000  }
0x7a: {  	s1 =	sshll.u32 s1, $0x4;
	[sflag:s16] =	ssyncset.done $0x0  }
0x7b: {  	s30 =	sadd.s32 s31, s1;
	[sflag:s16] =	ssyncadd.s32 $0xFFFF6000  }
0x7c: {  	[hbm4b:s30+s2] =	stream.linear.scatter [tilespmem:s10], [sflag:$0x6], $0xA000, $0x38;
	[tilespmem:$0x1E480] =	vst v63  }
0x7d: {  	_ =	swait.ge [sflag:s11], $0xA000  }
0x7e: {  	s0 =	sshll.u32 s0, $0x4;
	[sflag:s11] =	ssyncset.done $0x0  }
0x7f: {  	s31 =	sadd.s32 s31, s0;
	[sflag:s11] =	ssyncadd.s32 $0xFFFF6000  }
0x80: {  	[hbm4b:s31+s2] =	stream.linear.scatter [tilespmem:s6], [sflag:$0x4], $0xA000, $0x38;
	[tilespmem:$0x1E480] =	vst v63  }
0x81: {  	_ =	swait.ge [sflag:s14], $0xA000  }
0x82: {  	s1 =	rddreg [dreg:$0x8]  }
0x83: {  	s0 =	ssub.s32 $0x2, s1  }
0x84: {  	s1 =	sshrl.u32 s0, $0x1  }
0x85: {  	s0 =	ssub.s32 s0, s1  }
0x86: {  	s0 =	smax.u32 s0, $0x1  }
0x87: {  	[sflag:s14] =	ssyncset.done $0x0;
	p0 =	sne.s32 s0, $0x1  }
.Ltmp0:
0x88: {  	[sflag:s14] =	ssyncadd.s32 $0xFFFF6000;
	(pc) =	sbr.rel @!p0 .LBB2_2-.Ltmp0, $4  }
0x89: {  	_ =	swait.ge [sflag:s18], $0xA000  }
0x8a: {  	[sflag:s18] =	ssyncset.done $0x0  }
0x8b: {  	[sflag:s18] =	ssyncadd.s32 $0xFFFF6000  }
0x8c: {  	s1 =	sadd.s32 $0xFFFFFFFF, s0;
	_ =	swait.ge [sflag:s12], $0xA000  }
.LBB2_1:
0x8d: {  	[sflag:s12] =	ssyncset.done $0x0  }
0x8e: {  	s0 =	rddreg [dreg:$0x2];
	[sflag:s12] =	ssyncadd.s32 $0xFFFF6000  }
0x8f: {  	[tilespmem:s2], [sflag:$0x7] =	stream.linear.gather [hbm4b:s0+s2], $0x140, $0x38;
	[tilespmem:$0x1E480] =	vst v63  }
0x90: {  	_ =	swait.ge [sflag:s3], $0x140  }
0x91: {  	[sflag:s3] =	ssyncset.done $0x0  }
0x92: {  	[sflag:s3] =	ssyncadd.s32 $0xFFFFFEC0  }
0x93: {  	[tilespmem:s6], [sflag:$0x1] =	stream.indirect.gather [hbm4b:s4+s5], $0x80, s2, s5, $0xb8;
	[tilespmem:$0x1E480] =	vst v63  }
0x94: {  	s0 =	rddreg [dreg:$0x3]  }
0x95: {  	[tilespmem:s7], [sflag:$0x7] =	stream.linear.gather [hbm4b:s0+s2], $0x140, $0x38;
	[tilespmem:$0x1E480] =	vst v63  }
0x96: {  	_ =	swait.ge [sflag:s3], $0x140  }
0x97: {  	[sflag:s3] =	ssyncset.done $0x0  }
0x98: {  	[sflag:s3] =	ssyncadd.s32 $0xFFFFFEC0  }
0x99: {  	[tilespmem:s8], [sflag:$0x2] =	stream.indirect.gather [hbm4b:s4+s5], $0x80, s7, s5, $0xb8;
	[tilespmem:$0x1E480] =	vst v63  }
0x9a: {  	s0 =	rddreg [dreg:$0x4]  }
0x9b: {  	[tilespmem:s9], [sflag:$0x7] =	stream.linear.gather [hbm4b:s0+s2], $0x140, $0x38;
	[tilespmem:$0x1E480] =	vst v63  }
0x9c: {  	_ =	swait.ge [sflag:s3], $0x140  }
0x9d: {  	[sflag:s3] =	ssyncset.done $0x0  }
0x9e: {  	[sflag:s3] =	ssyncadd.s32 $0xFFFFFEC0  }
0x9f: {  	[tilespmem:s10], [sflag:$0x3] =	stream.indirect.gather [hbm4b:s4+s5], $0x80, s9, s5, $0xb8;
	[tilespmem:$0x1E480] =	vst v63  }
0xa0: {  	_ =	swait.ge [sflag:s11], $0xA000  }
0xa1: {  	[sflag:s11] =	ssyncset.done $0x0  }
0xa2: {  	s0 =	rddreg [dreg:$0x5];
	[sflag:s11] =	ssyncadd.s32 $0xFFFF6000  }
0xa3: {  	[hbm4b:s0+s2] =	stream.linear.scatter [tilespmem:s6], [sflag:$0x4], $0xA000, $0x38;
	[tilespmem:$0x1E480] =	vst v63  }
0xa4: {  	_ =	swait.ge [sflag:s12], $0xA000  }
0xa5: {  	[sflag:s12] =	ssyncset.done $0x0  }
0xa6: {  	s0 =	rddreg [dreg:$0x6];
	[sflag:s12] =	ssyncadd.s32 $0xFFFF6000  }
0xa7: {  	[tilespmem:s2], [sflag:$0x7] =	stream.linear.gather [hbm4b:s0+s2], $0x140, $0x38;
	[tilespmem:$0x1E480] =	vst v63  }
0xa8: {  	_ =	swait.ge [sflag:s3], $0x140  }
0xa9: {  	[sflag:s3] =	ssyncset.done $0x0  }
0xaa: {  	[sflag:s3] =	ssyncadd.s32 $0xFFFFFEC0  }
0xab: {  	[tilespmem:s6], [sflag:$0x1] =	stream.indirect.gather [hbm4b:s4+s5], $0x80, s2, s5, $0xb8;
	[tilespmem:$0x1E480] =	vst v63  }
0xac: {  	_ =	swait.ge [sflag:s13], $0xA000  }
0xad: {  	[sflag:s13] =	ssyncset.done $0x0  }
0xae: {  	s0 =	rddreg [dreg:$0x7];
	[sflag:s13] =	ssyncadd.s32 $0xFFFF6000  }
0xaf: {  	[hbm4b:s0+s2] =	stream.linear.scatter [tilespmem:s8], [sflag:$0x5], $0xA000, $0x38;
	[tilespmem:$0x1E480] =	vst v63  }
0xb0: {  	_ =	swait.ge [sflag:s14], $0xA000  }
0xb1: {  	[sflag:s14] =	ssyncset.done $0x0  }
0xb2: {  	[sflag:s14] =	ssyncadd.s32 $0xFFFF6000  }
0xb3: {  	[tilespmem:s7], [sflag:$0x7] =	stream.linear.gather [hbm4b:s15+s2], $0x140, $0x38;
	[tilespmem:$0x1E480] =	vst v63  }
0xb4: {  	_ =	swait.ge [sflag:s3], $0x140  }
0xb5: {  	[sflag:s3] =	ssyncset.done $0x0  }
0xb6: {  	[sflag:s3] =	ssyncadd.s32 $0xFFFFFEC0  }
0xb7: {  	[tilespmem:s8], [sflag:$0x2] =	stream.indirect.gather [hbm4b:s4+s5], $0x80, s7, s5, $0xb8;
	[tilespmem:$0x1E480] =	vst v63  }
0xb8: {  	_ =	swait.ge [sflag:s16], $0xA000  }
0xb9: {  	[sflag:s16] =	ssyncset.done $0x0  }
0xba: {  	[sflag:s16] =	ssyncadd.s32 $0xFFFF6000  }
0xbb: {  	[hbm4b:s17+s2] =	stream.linear.scatter [tilespmem:s10], [sflag:$0x6], $0xA000, $0x38;
	[tilespmem:$0x1E480] =	vst v63  }
0xbc: {  	_ =	swait.ge [sflag:s18], $0xA000  }
0xbd: {  	[sflag:s18] =	ssyncset.done $0x0  }
0xbe: {  	[sflag:s18] =	ssyncadd.s32 $0xFFFF6000  }
0xbf: {  	[tilespmem:s9], [sflag:$0x7] =	stream.linear.gather [hbm4b:s19+s2], $0x140, $0x38;
	[tilespmem:$0x1E480] =	vst v63  }
0xc0: {  	_ =	swait.ge [sflag:s3], $0x140  }
0xc1: {  	[sflag:s3] =	ssyncset.done $0x0  }
0xc2: {  	[sflag:s3] =	ssyncadd.s32 $0xFFFFFEC0  }
0xc3: {  	[tilespmem:s10], [sflag:$0x3] =	stream.indirect.gather [hbm4b:s4+s5], $0x80, s9, s5, $0xb8;
	[tilespmem:$0x1E480] =	vst v63  }
0xc4: {  	_ =	swait.ge [sflag:s11], $0xA000  }
0xc5: {  	[sflag:s11] =	ssyncset.done $0x0  }
0xc6: {  	[sflag:s11] =	ssyncadd.s32 $0xFFFF6000  }
0xc7: {  	[hbm4b:s20+s2] =	stream.linear.scatter [tilespmem:s6], [sflag:$0x4], $0xA000, $0x38;
	[tilespmem:$0x1E480] =	vst v63  }
0xc8: {  	_ =	swait.ge [sflag:s12], $0xA000  }
0xc9: {  	[sflag:s12] =	ssyncset.done $0x0  }
0xca: {  	[sflag:s12] =	ssyncadd.s32 $0xFFFF6000  }
0xcb: {  	[tilespmem:s2], [sflag:$0x7] =	stream.linear.gather [hbm4b:s21+s2], $0x140, $0x38;
	[tilespmem:$0x1E480] =	vst v63  }
0xcc: {  	_ =	swait.ge [sflag:s3], $0x140  }
0xcd: {  	[sflag:s3] =	ssyncset.done $0x0  }
0xce: {  	[sflag:s3] =	ssyncadd.s32 $0xFFFFFEC0  }
0xcf: {  	[tilespmem:s6], [sflag:$0x1] =	stream.indirect.gather [hbm4b:s4+s5], $0x80, s2, s5, $0xb8;
	[tilespmem:$0x1E480] =	vst v63  }
0xd0: {  	_ =	swait.ge [sflag:s13], $0xA000  }
0xd1: {  	[sflag:s13] =	ssyncset.done $0x0  }
0xd2: {  	[sflag:s13] =	ssyncadd.s32 $0xFFFF6000  }
0xd3: {  	[hbm4b:s22+s2] =	stream.linear.scatter [tilespmem:s8], [sflag:$0x5], $0xA000, $0x38;
	[tilespmem:$0x1E480] =	vst v63  }
0xd4: {  	_ =	swait.ge [sflag:s14], $0xA000  }
0xd5: {  	[sflag:s14] =	ssyncset.done $0x0  }
0xd6: {  	[sflag:s14] =	ssyncadd.s32 $0xFFFF6000  }
0xd7: {  	[tilespmem:s7], [sflag:$0x7] =	stream.linear.gather [hbm4b:s23+s2], $0x140, $0x38;
	[tilespmem:$0x1E480] =	vst v63  }
0xd8: {  	_ =	swait.ge [sflag:s3], $0x140  }
0xd9: {  	[sflag:s3] =	ssyncset.done $0x0  }
0xda: {  	[sflag:s3] =	ssyncadd.s32 $0xFFFFFEC0  }
0xdb: {  	[tilespmem:s8], [sflag:$0x2] =	stream.indirect.gather [hbm4b:s4+s5], $0x80, s7, s5, $0xb8;
	[tilespmem:$0x1E480] =	vst v63  }
0xdc: {  	_ =	swait.ge [sflag:s16], $0xA000  }
0xdd: {  	[sflag:s16] =	ssyncset.done $0x0  }
0xde: {  	[sflag:s16] =	ssyncadd.s32 $0xFFFF6000  }
0xdf: {  	[hbm4b:s24+s2] =	stream.linear.scatter [tilespmem:s10], [sflag:$0x6], $0xA000, $0x38;
	[tilespmem:$0x1E480] =	vst v63  }
0xe0: {  	_ =	swait.ge [sflag:s18], $0xA000  }
0xe1: {  	[sflag:s18] =	ssyncset.done $0x0  }
0xe2: {  	[sflag:s18] =	ssyncadd.s32 $0xFFFF6000  }
0xe3: {  	[tilespmem:s9], [sflag:$0x7] =	stream.linear.gather [hbm4b:s25+s2], $0x140, $0x38;
	[tilespmem:$0x1E480] =	vst v63  }
0xe4: {  	_ =	swait.ge [sflag:s3], $0x140  }
0xe5: {  	[sflag:s3] =	ssyncset.done $0x0  }
0xe6: {  	[sflag:s3] =	ssyncadd.s32 $0xFFFFFEC0  }
0xe7: {  	[tilespmem:s10], [sflag:$0x3] =	stream.indirect.gather [hbm4b:s4+s5], $0x80, s9, s5, $0xb8;
	[tilespmem:$0x1E480] =	vst v63  }
0xe8: {  	_ =	swait.ge [sflag:s11], $0xA000  }
0xe9: {  	[sflag:s11] =	ssyncset.done $0x0  }
0xea: {  	[sflag:s11] =	ssyncadd.s32 $0xFFFF6000  }
0xeb: {  	[hbm4b:s26+s2] =	stream.linear.scatter [tilespmem:s6], [sflag:$0x4], $0xA000, $0x38;
	[tilespmem:$0x1E480] =	vst v63  }
0xec: {  	_ =	swait.ge [sflag:s12], $0xA000  }
0xed: {  	[sflag:s12] =	ssyncset.done $0x0  }
0xee: {  	[sflag:s12] =	ssyncadd.s32 $0xFFFF6000  }
0xef: {  	[tilespmem:s2], [sflag:$0x7] =	stream.linear.gather [hbm4b:s28+s2], $0x140, $0x38;
	[tilespmem:$0x1E480] =	vst v63  }
0xf0: {  	_ =	swait.ge [sflag:s3], $0x140  }
0xf1: {  	[sflag:s3] =	ssyncset.done $0x0  }
0xf2: {  	[sflag:s3] =	ssyncadd.s32 $0xFFFFFEC0  }
0xf3: {  	[tilespmem:s6], [sflag:$0x1] =	stream.indirect.gather [hbm4b:s4+s5], $0x80, s2, s5, $0xb8;
	[tilespmem:$0x1E480] =	vst v63  }
0xf4: {  	_ =	swait.ge [sflag:s13], $0xA000  }
0xf5: {  	[sflag:s13] =	ssyncset.done $0x0  }
0xf6: {  	[sflag:s13] =	ssyncadd.s32 $0xFFFF6000  }
0xf7: {  	[hbm4b:s29+s2] =	stream.linear.scatter [tilespmem:s8], [sflag:$0x5], $0xA000, $0x38;
	[tilespmem:$0x1E480] =	vst v63  }
0xf8: {  	_ =	swait.ge [sflag:s16], $0xA000  }
0xf9: {  	[sflag:s16] =	ssyncset.done $0x0  }
0xfa: {  	[sflag:s16] =	ssyncadd.s32 $0xFFFF6000  }
0xfb: {  	[hbm4b:s30+s2] =	stream.linear.scatter [tilespmem:s10], [sflag:$0x6], $0xA000, $0x38;
	[tilespmem:$0x1E480] =	vst v63  }
0xfc: {  	_ =	swait.ge [sflag:s11], $0xA000  }
0xfd: {  	[sflag:s11] =	ssyncset.done $0x0  }
0xfe: {  	[sflag:s11] =	ssyncadd.s32 $0xFFFF6000  }
0xff: {  	[hbm4b:s31+s2] =	stream.linear.scatter [tilespmem:s6], [sflag:$0x4], $0xA000, $0x38;
	[tilespmem:$0x1E480] =	vst v63  }
0x100: {  	_ =	swait.ge [sflag:s14], $0xA000  }
0x101: {  	p0 =	sne.s32 s1, $0x1;
	[sflag:s14] =	ssyncset.done $0x0  }
.Ltmp1:
0x102: {  	[sflag:s14] =	ssyncadd.s32 $0xFFFF6000;
	(pc) =	sbr.rel @p0 .LBB2_1-.Ltmp1, $4  }
0x103: {  	_ =	swait.ge [sflag:s18], $0xA000  }
0x104: {  	[sflag:s18] =	ssyncset.done $0x0  }
0x105: {  	[sflag:s18] =	ssyncadd.s32 $0xFFFF6000  }
0x106: {  	s1 =	sadd.s32 $0xFFFFFFFF, s1;
	_ =	swait.ge [sflag:s12], $0xA000  }
.LBB2_2:
0x107: {  	[sflag:s12] =	ssyncset.done $0x0  }
0x108: {  	[sflag:s12] =	ssyncadd.s32 $0xFFFF6000  }
0x109: {  	_ =	sfence.sel $0x180000  }
0x10a: {  	[bflag:$0x0] =	sbarrier.arrive $0xFFFF  }
0x10b: {  	_ =	strace $0x90000047  }
0x10c: {  	s0 =	stileid.u32;
	[bflag:$0x2] =	sbarrier.arrive $0xFFFF  }
0x10d: {  	p0 =	sne.s32 s0, $0x0;
	s0 =	rddreg [dreg:$0x1]  }
0x10e: {  	s0 =	sadd.s32 @!p0 $0x100000, s0  }
0x10f: {  	[sflag:s0] =	ssyncadd.tile.s32 @!p0 $0x1;
	_ =	shalt  }
.Lfunc_end2:
_tile_overlayer_lowered:
.L_overlay_start_2:
0x110: {  	(tag) =	ssettag $0x2  }
0x111: {  	s0 =	rddreg [dreg:$0x0];
	s2 =	stileid.u32  }
0x112: {  	s1 =	rddreg [dreg:$0x1];
	p0 =	sne.s32 s2, $0x0  }
0x113: {  	s3 =	rddreg [dreg:$0x2];
	[bflag:$0x3] =	sbarrier.arrive $0xFFFF;
	s2 =	simm.s32 @!p0 $0x1C07  }
0x114: {  	[timem:s3], [sflag:s2] =	dma.local @!p0 [hbm:s0], s1  }
0x115: {  	s0 =	simm.s32 @!p0 $0x7  }
0x116: {  	_ =	swait.ge @!p0 [sflag:s0], s1  }
0x117: {  	s1 =	ssub.s32 @!p0 $0x0, s1;
	[sflag:s0] =	ssyncset.done @!p0 $0x0  }
0x118: {  	[sflag:s0] =	ssyncadd.s32 @!p0 s1  }
0x119: {  	[bflag:$0x3] =	sbarrier.arrive $0xFFFF  }
0x11a: {  	_ =	shalt  }

// kernel: kernel.7.cloned.1.call-start
scs
__scs_entry_jumppad:
0x0: {  	(pc) =	sbr.rel $0x88, $3  }
0x1: {  	(tag) =	ssettag $0x0;
	lr =	simm.s32 $0x1  }
0x2: {  	[smem:$0x3F9C] =	sst lr;
	_ =	strace $0xD0000000  }
0x3: {  	_ = 	snop  }
0x4: {  	_ = 	snop  }
0x5: {  	_ = 	snop  }
0x6: {  	_ = 	snop  }
0x7: {  	_ = 	snop  }
__scs_overlays_trampoline_lowered:
0x8: {  	[smem:$0x3FAB] =	sst s0  }
0x9: {  	[smem:$0x3FAC] =	sst s1  }
0xa: {  	[smem:$0x3FAD] =	sst s2  }
0xb: {  	[smem:$0x3FAE] =	sst s3  }
0xc: {  	[smem:$0x3FAF] =	sst s4  }
0xd: {  	[smem:$0x3FB0] =	sst s5  }
0xe: {  	[smem:$0x3FB1] =	sst s6  }
0xf: {  	[smem:$0x3FB2] =	sst s7  }
0x10: {  	[smem:$0x3FB3] =	sst s8  }
0x11: {  	[smem:$0x3FB4] =	sst s9;
	s0 =	simm.s32 @!p0 $0x0  }
0x12: {  	s1 =	sld [smem:$0x3F9A];
	s0 =	simm.s32 @p0 $0x1  }
0x13: {  	[smem:$0x3FB5] =	sst s0;
	s0 =	simm.s32 @!p1 $0x0  }
0x14: {  	s2 =	sld [smem:$0x3F99];
	s0 =	simm.s32 @p1 $0x1  }
0x15: {  	[smem:$0x3FB6] =	sst s0;
	s0 =	simm.s32 @!p2 $0x0  }
0x16: {  	s3 =	sld [smem:$0x3FDB];
	s0 =	simm.s32 @p2 $0x1  }
0x17: {  	s4 =	simm.s32 $0x1BF5;
	[smem:$0x3FB8] =	sst s0  }
0x18: {  	s0 =	sld [smem:$0x3F9B];
	_ =	swait.ge [sflag:s4], $0x0  }
0x19: {  	s7 =	sld [smem:$0x3F9C]  }
0x1a: {  	s8 =	sadd.s32 $0xFFFFE003, lr  }
0x1b: {  	s9 =	sadd.s32 $0xFFFFFEF7, lr;
	s5 =	simm.s32 $0xFFFFFFFF;
	p2 =	slt.u32 s8, $0xFFFFF086  }
0x1c: {  	p1 =	slt.u32 s9, $0xF7A;
	s5 =	simm.s32 @!p2 $0x0  }
0x1d: {  	s5 =	simm.s32 @p1 $0x1;
	p0 =	seq.s32 s7, s2  }
0x1e: {  	s7 =	smul.u32 @!p0 $0xF7A, s2;
	p2 =	seq.s32 @!p0 s5, $0x0  }
0x1f: {  	s9 =	smul.u32 $0xF7A, s1;
	s8 =	simm.s32 @!p0 $0x1BF5;
	p2 =	por !p2, p0  }
0x20: {  	[sflag:s8] =	ssyncset.s32 @!p0 $0xFFFFF086;
	s6 =	sadd.s32 @!p0 s3, s7;
	s7 =	simm.s32 @!p0 $0x108  }
0x21: {  	s3 =	sadd.s32 s3, s9;
	s6 =	sadd.s32 @!p0 $0x88, s6;
	s7 =	simm.s32 @p2 $0x1082  }
0x22: {  	[simem:s7], [sflag:s8] =	dma.local @!p0 [hbm:s6], $0xF7A  }
0x23: {  	s9 =	sor.u32 $0xD0000000, s2;
	s6 =	simm.s32 $0x108;
	_ =	swait.ge @!p0 [sflag:s8], $0x0  }
0x24: {  	s3 =	sadd.s32 $0x88, s3;
	s6 =	simm.s32 @!p1 $0x1082;
	[sflag:s4] =	ssyncset.s32 $0xFFFFF086  }
0x25: {  	[simem:s6], [sflag:s4] =	dma.local [hbm:s3], $0xF7A  }
0x26: {  	[smem:$0x3F9C] =	sst s1;
	(tag) =	ssettag s2;
	_ =	strace s9  }
0x27: {  	s1 =	sld [smem:$0x3FAC]  }
0x28: {  	s2 =	sld [smem:$0x3FAD]  }
0x29: {  	s4 =	sld [smem:$0x3FAF]  }
0x2a: {  	p0 =	seq.s32 s5, $0x0;
	s5 =	sld [smem:$0x3FB0]  }
0x2b: {  	s6 =	sld [smem:$0x3FB1]  }
0x2c: {  	s7 =	sld [smem:$0x3FB2]  }
0x2d: {  	s3 =	simm.s32 $0x108;
	s8 =	sld [smem:$0x3FB3]  }
0x2e: {  	s3 =	simm.s32 @!p0 $0x1082;
	s9 =	sld [smem:$0x3FB4]  }
0x2f: {  	lr =	sadd.s32 s0, s3;
	s0 =	sld [smem:$0x3FAB]  }
0x30: {  	s3 =	sld [smem:$0x3FAE]  }
0x31: {  	[smem:$0x3FB7] =	sst s10  }
0x32: {  	s10 =	sld [smem:$0x3FB5];
	_ =	sdelay $0x3  }
0x33: {  	p0 =	seq.s32 s10, $0x1;
	s10 =	sld [smem:$0x3FB7];
	_ =	sdelay $0x3  }
0x34: {  	[smem:$0x3FB7] =	sst s10  }
0x35: {  	s10 =	sld [smem:$0x3FB6];
	_ =	sdelay $0x3  }
0x36: {  	p1 =	seq.s32 s10, $0x1;
	s10 =	sld [smem:$0x3FB7];
	_ =	sdelay $0x3  }
0x37: {  	[smem:$0x3FB7] =	sst s10  }
0x38: {  	s10 =	sld [smem:$0x3FB8]  }
0x39: {  	_ = 	snop;
	(pc) =	sbr.ind lr, $3  }
0x3a: {  	_ = 	snop  }
0x3b: {  	_ = 	snop  }
0x3c: {  	p2 =	seq.s32 s10, $0x1;
	s10 =	sld [smem:$0x3FB7]  }
0x3d: {  	_ =	shalt  }
0x3e: {  	_ =	shalt  }
0x3f: {  	_ =	shalt  }
0x40: {  	_ =	shalt  }
0x41: {  	_ =	shalt  }
0x42: {  	_ =	shalt  }
0x43: {  	_ =	shalt  }
0x44: {  	_ =	shalt  }
0x45: {  	_ =	shalt  }
0x46: {  	_ =	shalt  }
0x47: {  	_ =	shalt  }
0x48: {  	_ =	shalt  }
0x49: {  	_ =	shalt  }
0x4a: {  	_ =	shalt  }
0x4b: {  	_ =	shalt  }
0x4c: {  	_ =	shalt  }
0x4d: {  	_ =	shalt  }
0x4e: {  	_ =	shalt  }
0x4f: {  	_ =	shalt  }
0x50: {  	_ =	shalt  }
0x51: {  	_ =	shalt  }
0x52: {  	_ =	shalt  }
0x53: {  	_ =	shalt  }
0x54: {  	_ =	shalt  }
0x55: {  	_ =	shalt  }
0x56: {  	_ =	shalt  }
0x57: {  	_ =	shalt  }
0x58: {  	_ =	shalt  }
0x59: {  	_ =	shalt  }
0x5a: {  	_ =	shalt  }
0x5b: {  	_ =	shalt  }
0x5c: {  	_ =	shalt  }
0x5d: {  	_ =	shalt  }
0x5e: {  	_ =	shalt  }
0x5f: {  	_ =	shalt  }
0x60: {  	_ =	shalt  }
0x61: {  	_ =	shalt  }
0x62: {  	_ =	shalt  }
0x63: {  	_ =	shalt  }
0x64: {  	_ =	shalt  }
0x65: {  	_ =	shalt  }
0x66: {  	_ =	shalt  }
0x67: {  	_ =	shalt  }
0x68: {  	_ =	shalt  }
0x69: {  	_ =	shalt  }
0x6a: {  	_ =	shalt  }
0x6b: {  	_ =	shalt  }
0x6c: {  	_ =	shalt  }
0x6d: {  	_ =	shalt  }
0x6e: {  	_ =	shalt  }
0x6f: {  	_ =	shalt  }
0x70: {  	_ =	shalt  }
0x71: {  	_ =	shalt  }
0x72: {  	_ =	shalt  }
0x73: {  	_ =	shalt  }
0x74: {  	_ =	shalt  }
0x75: {  	_ =	shalt  }
0x76: {  	_ =	shalt  }
0x77: {  	_ =	shalt  }
0x78: {  	_ =	shalt  }
0x79: {  	_ =	shalt  }
0x7a: {  	_ =	shalt  }
0x7b: {  	_ =	shalt  }
0x7c: {  	_ =	shalt  }
0x7d: {  	_ =	shalt  }
0x7e: {  	_ =	shalt  }
0x7f: {  	_ =	shalt  }
0x80: {  	_ =	shalt  }
0x81: {  	_ =	shalt  }
0x82: {  	_ =	shalt  }
0x83: {  	_ =	shalt  }
0x84: {  	_ =	shalt  }
0x85: {  	_ =	shalt  }
0x86: {  	_ =	shalt  }
0x87: {  	_ =	shalt  }
.Lfunc_end0:
.L_simem_size_0:
called_computation_lowered:
.L_overlay_start_0:
0x88: {  	s2 =	sld [smem:$0x3FD9]  }
0x89: {  	s3 =	sld [smem:$0x3FFE];
	_ =	sdelay $0x1  }
0x8a: {  	s1 =	srdreg.scid  }
0x8b: {  	s0 =	sand.u32 $0x1, s1  }
0x8c: {  	s17 =	sshll.u32 s0, $0xA;
	s2 =	sadd.s32 s3, s2  }
0x8d: {  	s2 =	sadd.s32 s2, s17  }
0x8e: {  	[smem:$0x3FC3] =	sst s2  }
0x8f: {  	_ = 	snop  }
0x90: {  	(tm) =	ssettm $0x1  }
0x91: {  	s18 =	sld [smem:$0x3FFB];
	_ =	sdelay $0x3  }
0x92: {  	_ =	strace s18  }
0x93: {  	s2 =	sld [smem:$0x3FFC];
	_ =	sdelay $0x3  }
0x94: {  	_ =	strace s2  }
0x95: {  	s2 =	sld [smem:$0x3FFD];
	_ =	sdelay $0x3  }
0x96: {  	_ =	strace s2  }
0x97: {  	_ =	strace $0x8FFFFFFF  }
0x98: {  	s19 =	sld [smem:$0x3FDB];
	_ =	sdelay $0x1  }
0x99: {  	s20 =	simm.s32 $_scs_section_size  }
0x9a: {  	s4 =	simm.s32 $_size__tile_overlayer_lowered;
	s5 =	simm.s32 $_tile_overlayer_lowered  }
0x9b: {  	s6 =	simm.s32 $0x1BFF;
	s21 =	sshll.u32 s5, $0x1;
	s3 =	sadd.s32 s20, s19  }
0x9c: {  	s22 =	simm.s32 $0x0;
	s4 =	sshll.u32 s4, $0x1;
	s5 =	sadd.s32 s21, s3  }
0x9d: {  	[timem:s22], [sflag:s6] =	dma.local [hbm:s5], s4  }
0x9e: {  	_ =	swait.ge [sflag:s6], s4  }
0x9f: {  	s4 =	ssub.s32 $0x0, s4;
	[sflag:s6] =	ssyncset.done $0x0  }
0xa0: {  	[sflag:s6] =	ssyncadd.s32 s4;
	_ =	sdelay $0x1  }
0xa1: {  	s23 =	simm.s32 $0x1B8B  }
0xa2: {  	_ =	swait.ge [sflag:s23], $0x1  }
0xa3: {  	[sflag:s23] =	ssyncset.done $0x0  }
0xa4: {  	[sflag:s23] =	ssyncadd.s32 $0xFFFFFFFF  }
0xa5: {  	s4 =	sld [smem:$0x0]  }
0xa6: {  	s5 =	sand.u32 $0xFFFFFFFE, s1  }
0xa7: {  	p0 =	sne.s32 s1, s5  }
0xa8: {  	s5 =	sshll.u32 @p0 s5, $0xE  }
0xa9: {  	s5 =	sadd.s32 @p0 $0x11B8D, s5;
	s6 =	sshll.u32 @p0 s4, $0x11  }
0xaa: {  	s5 =	sor.u32 @p0 s6, s5  }
0xab: {  	[sflag:s5] =	ssyncadd.remote.s32 @p0 $0x1;
	_ =	sdelay $0x1  }
0xac: {  	s5 =	simm.s32 @p0 $0x1B8D  }
0xad: {  	_ =	swait.eq @p0 [sflag:s5], $0x1  }
0xae: {  	[sflag:s5] =	ssyncadd.s32 @p0 $0xFFFFFFFF  }
0xaf: {  	s6 =	sshll.u32 @!p0 s1, $0xE  }
0xb0: {  	s6 =	sor.u32 @!p0 $0x4000, s6;
	s5 =	simm.s32 @!p0 $0x1B8D  }
0xb1: {  	s4 =	sshll.u32 @!p0 s4, $0x11;
	s6 =	sadd.s32 @!p0 $0x11B8D, s6;
	_ =	swait.eq @!p0 [sflag:s5], $0x1  }
0xb2: {  	s4 =	sor.u32 @!p0 s4, s6;
	[sflag:s5] =	ssyncadd.s32 @!p0 $0xFFFFFFFF  }
0xb3: {  	s25 =	simm.s32 $0x1B8E;
	s24 =	sld [smem:$0x3FFE];
	[sflag:s4] =	ssyncadd.remote.s32 @!p0 $0x1  }
0xb4: {  	s26 =	simm.s32 $execute0_lowered;
	[smem:$0x3FD2] =	sst s25  }
0xb5: {  	s5 =	sshll.u32 s26, $0x1;
	_ =	strace $0x80000049;
	[dreg:$0x1] =	wrdreg $0xFFFFFFFF  }
0xb6: {  	s28 =	simm.s32 $_size_execute0_lowered;
	s3 =	sadd.s32 s3, s5;
	[dreg:$0x0] =	wrdreg $0x0  }
0xb7: {  	s5 =	sshll.u32 s28, $0x1;
	[dreg:$0x2] =	wrdreg s3  }
0xb8: {  	[dreg:$0x3] =	wrdreg s5  }
0xb9: {  	[dreg:$0x4] =	wrdreg $0xC0  }
0xba: {  	_ =	task [dreg:s22], $0x5FFFF  }
0xbb: {  	[dreg:$0x1] =	wrdreg $0xFFFFFFFF  }
0xbc: {  	[dreg:$0x0] =	wrdreg $0x60  }
0xbd: {  	[dreg:$0x2] =	wrdreg s24  }
0xbe: {  	[dreg:$0x3] =	wrdreg $0x9  }
0xbf: {  	_ =	task.clear_ibuf [dreg:s22], $0x4FFFF;
	_ =	strace $0x90000049  }
0xc0: {  	s29 =	simm.s32 $0x9;
	_ =	strace $0x8000004B  }
0xc1: {  	_ =	swait.ge [sflag:s29], $0x1  }
0xc2: {  	[sflag:s29] =	ssyncadd.s32 $0xFFFFFFFF  }
0xc3: {  	_ =	strace $0x9000004B  }
0xc4: {  	_ =	sfence  }
0xc5: {  	s30 =	sld [smem:$0x0];
	_ =	sdelay $0x2  }
0xc6: {  	s31 =	sshll.u32 s1, $0xD;
	s1 =	sshrl.u32 s1, $0x2  }
0xc7: {  	s4 =	sand.u32 $0x4000, s31;
	s1 =	sadd.s32 s1, s30  }
0xc8: {  	s0 =	sor.u32 s4, s0;
	s1 =	sshll.u32 s1, $0x11  }
0xc9: {  	s0 =	sor.u32 s1, s0  }
0xca: {  	s0 =	sadd.s32 $0x8F2B, s0  }
0xcb: {  	[sflag:s0] =	ssyncadd.remote.s32 $0x1  }
0xcc: {  	_ =	sfence.sel $0xFFFF  }
0xcd: {  	[dreg:$0x0] =	wrdreg $0xFFFFFFFF;
	(pc) =	sbr.abs _section_cstart, $3  }
0xce: {  	[dreg:$0x1] =	wrdreg $0xFFFFFFFF  }
0xcf: {  	_ =	task.clear_ibuf [dreg:s22], $0x2FFFF;
	_ =	strace $0x9FFFFFFF  }
0xd0: {  	(tm) =	ssettm $0x7FFFFFFF  }
0xd1: {  	_ =	shalt  }
tec
execute0_lowered:
.L_overlay_start_1:
0x0: {  	(tag) =	ssettag $0x1  }
0x1: {  	s0 =	srdreg.scid  }
0x2: {  	s1 =	sand.u32 $0x1, s0  }
0x3: {  	s19 =	stileid.u32;
	s2 =	sshll.u32 s1, $0x4  }
0x4: {  	s4 =	rddreg [dreg:$0x0];
	s3 =	sor.u32 s19, s2  }
0x5: {  	s28 =	sadd.s32 $0x7C4600, s4;
	s5 =	smul.u32 $0x28, s3  }
0x6: {  	[dreg:$0x8] =	wrdreg s1;
	s2 =	simm.s32 $0x0;
	s29 =	smul.u32 $0x140, s3  }
0x7: {  	s31 =	sadd.s32 $0x111DC00, s4;
	[smem:$0x7FF] =	sst s2;
	s3 =	smul.u32 $0x1400, s3  }
0x8: {  	_ =	strace $0x8000004A;
	s5 =	sadd.s32 s28, s5;
	s6 =	sadd.s32 $0x2800, s29  }
0x9: {  	s17 =	sadd.s32 $0x5000, s29;
	s3 =	sadd.s32 s31, s3;
	[dreg:$0x2] =	wrdreg s5  }
0xa: {  	s20 =	sshrl.u32 s6, $0x3;
	s7 =	sshrl.u32 s17, $0x3;
	[dreg:$0x5] =	wrdreg s3  }
0xb: {  	s23 =	sshll.u32 s6, $0x4;
	s5 =	sadd.s32 s28, s20;
	s24 =	rddreg [dreg:$0x2]  }
0xc: {  	s21 =	sadd.s32 s28, s7;
	s20 =	sadd.s32 $0x7800, s29;
	[dreg:$0x3] =	wrdreg s5  }
0xd: {  	s25 =	sadd.s32 s31, s23;
	[dreg:$0x4] =	wrdreg s21;
	s22 =	sshrl.u32 s20, $0x3  }
0xe: {  	[tilespmem:s2], [sflag:$0x7] =	stream.linear.gather [hbm4b:s24+s2], $0x140, $0x38;
	[tilespmem:$0x1E480] =	vst v63  }
0xf: {  	[dreg:$0x7] =	wrdreg s25;
	s3 =	sadd.s32 s28, s22  }
0x10: {  	[dreg:$0x6] =	wrdreg s3;
	s3 =	simm.s32 $0x7  }
0x11: {  	_ =	swait.ge [sflag:s3], $0x140  }
0x12: {  	s4 =	sadd.s32 $0x95DC00, s4;
	[sflag:s3] =	ssyncset.done $0x0  }
0x13: {  	s6 =	simm.s32 $0x480;
	s5 =	simm.s32 $0x140;
	[sflag:s3] =	ssyncadd.s32 $0xFFFFFEC0  }
0x14: {  	[tilespmem:s6], [sflag:$0x1] =	stream.indirect.gather [hbm4b:s4+s5], $0x80, s2, s5, $0xb8;
	[tilespmem:$0x1E480] =	vst v63  }
0x15: {  	s7 =	simm.s32 $0x180;
	s8 =	rddreg [dreg:$0x3]  }
0x16: {  	[tilespmem:s7], [sflag:$0x7] =	stream.linear.gather [hbm4b:s8+s2], $0x140, $0x38;
	[tilespmem:$0x1E480] =	vst v63  }
0x17: {  	_ =	swait.ge [sflag:s3], $0x140  }
0x18: {  	[sflag:s3] =	ssyncset.done $0x0  }
0x19: {  	s8 =	simm.s32 $0xA480;
	[sflag:s3] =	ssyncadd.s32 $0xFFFFFEC0  }
0x1a: {  	[tilespmem:s8], [sflag:$0x2] =	stream.indirect.gather [hbm4b:s4+s5], $0x80, s7, s5, $0xb8;
	[tilespmem:$0x1E480] =	vst v63  }
0x1b: {  	s9 =	simm.s32 $0x300;
	s10 =	rddreg [dreg:$0x4]  }
0x1c: {  	[tilespmem:s9], [sflag:$0x7] =	stream.linear.gather [hbm4b:s10+s2], $0x140, $0x38;
	[tilespmem:$0x1E480] =	vst v63  }
0x1d: {  	_ =	swait.ge [sflag:s3], $0x140  }
0x1e: {  	[sflag:s3] =	ssyncset.done $0x0  }
0x1f: {  	s11 =	simm.s32 $0x1;
	s10 =	simm.s32 $0x14480;
	[sflag:s3] =	ssyncadd.s32 $0xFFFFFEC0  }
0x20: {  	[tilespmem:s10], [sflag:$0x3] =	stream.indirect.gather [hbm4b:s4+s5], $0x80, s9, s5, $0xb8;
	[tilespmem:$0x1E480] =	vst v63  }
0x21: {  	_ =	swait.ge [sflag:s11], $0xA000  }
0x22: {  	[sflag:s11] =	ssyncset.done $0x0  }
0x23: {  	s12 =	simm.s32 $0x4;
	s13 =	rddreg [dreg:$0x5];
	[sflag:s11] =	ssyncadd.s32 $0xFFFF6000  }
0x24: {  	[hbm4b:s13+s2] =	stream.linear.scatter [tilespmem:s6], [sflag:$0x4], $0xA000, $0x38;
	[tilespmem:$0x1E480] =	vst v63  }
0x25: {  	_ =	swait.ge [sflag:s12], $0xA000  }
0x26: {  	[sflag:s12] =	ssyncset.done $0x0  }
0x27: {  	s26 =	rddreg [dreg:$0x6];
	[sflag:s12] =	ssyncadd.s32 $0xFFFF6000  }
0x28: {  	[tilespmem:s2], [sflag:$0x7] =	stream.linear.gather [hbm4b:s26+s2], $0x140, $0x38;
	[tilespmem:$0x1E480] =	vst v63  }
0x29: {  	_ =	swait.ge [sflag:s3], $0x140  }
0x2a: {  	[sflag:s3] =	ssyncset.done $0x0  }
0x2b: {  	s13 =	simm.s32 $0x2;
	[sflag:s3] =	ssyncadd.s32 $0xFFFFFEC0  }
0x2c: {  	[tilespmem:s6], [sflag:$0x1] =	stream.indirect.gather [hbm4b:s4+s5], $0x80, s2, s5, $0xb8;
	[tilespmem:$0x1E480] =	vst v63  }
0x2d: {  	_ =	swait.ge [sflag:s13], $0xA000  }
0x2e: {  	[sflag:s13] =	ssyncset.done $0x0  }
0x2f: {  	s14 =	simm.s32 $0x5;
	s15 =	rddreg [dreg:$0x7];
	[sflag:s13] =	ssyncadd.s32 $0xFFFF6000  }
0x30: {  	[hbm4b:s15+s2] =	stream.linear.scatter [tilespmem:s8], [sflag:$0x5], $0xA000, $0x38;
	[tilespmem:$0x1E480] =	vst v63  }
0x31: {  	s22 =	sadd.s32 $0xA000, s29;
	_ =	swait.ge [sflag:s14], $0xA000  }
0x32: {  	s0 =	sshrl.u32 s22, $0x3;
	[sflag:s14] =	ssyncset.done $0x0  }
0x33: {  	s15 =	sadd.s32 s28, s0;
	[sflag:s14] =	ssyncadd.s32 $0xFFFF6000  }
0x34: {  	[tilespmem:s7], [sflag:$0x7] =	stream.linear.gather [hbm4b:s15+s2], $0x140, $0x38;
	[tilespmem:$0x1E480] =	vst v63  }
0x35: {  	_ =	swait.ge [sflag:s3], $0x140  }
0x36: {  	[sflag:s3] =	ssyncset.done $0x0  }
0x37: {  	s16 =	simm.s32 $0x3;
	[sflag:s3] =	ssyncadd.s32 $0xFFFFFEC0  }
0x38: {  	[tilespmem:s8], [sflag:$0x2] =	stream.indirect.gather [hbm4b:s4+s5], $0x80, s7, s5, $0xb8;
	[tilespmem:$0x1E480] =	vst v63  }
0x39: {  	_ =	swait.ge [sflag:s16], $0xA000  }
0x3a: {  	s17 =	sshll.u32 s17, $0x4;
	[sflag:s16] =	ssyncset.done $0x0  }
0x3b: {  	s18 =	simm.s32 $0x6;
	s17 =	sadd.s32 s31, s17;
	[sflag:s16] =	ssyncadd.s32 $0xFFFF6000  }
0x3c: {  	[hbm4b:s17+s2] =	stream.linear.scatter [tilespmem:s10], [sflag:$0x6], $0xA000, $0x38;
	[tilespmem:$0x1E480] =	vst v63  }
0x3d: {  	s24 =	sadd.s32 $0xC800, s29;
	_ =	swait.ge [sflag:s18], $0xA000  }
0x3e: {  	s19 =	sshrl.u32 s24, $0x3;
	[sflag:s18] =	ssyncset.done $0x0  }
0x3f: {  	s19 =	sadd.s32 s28, s19;
	[sflag:s18] =	ssyncadd.s32 $0xFFFF6000  }
0x40: {  	[tilespmem:s9], [sflag:$0x7] =	stream.linear.gather [hbm4b:s19+s2], $0x140, $0x38;
	[tilespmem:$0x1E480] =	vst v63  }
0x41: {  	_ =	swait.ge [sflag:s3], $0x140  }
0x42: {  	[sflag:s3] =	ssyncset.done $0x0  }
0x43: {  	[sflag:s3] =	ssyncadd.s32 $0xFFFFFEC0  }
0x44: {  	[tilespmem:s10], [sflag:$0x3] =	stream.indirect.gather [hbm4b:s4+s5], $0x80, s9, s5, $0xb8;
	[tilespmem:$0x1E480] =	vst v63  }
0x45: {  	_ =	swait.ge [sflag:s11], $0xA000  }
0x46: {  	s20 =	sshll.u32 s20, $0x4;
	[sflag:s11] =	ssyncset.done $0x0  }
0x47: {  	s20 =	sadd.s32 s31, s20;
	[sflag:s11] =	ssyncadd.s32 $0xFFFF6000  }
0x48: {  	[hbm4b:s20+s2] =	stream.linear.scatter [tilespmem:s6], [sflag:$0x4], $0xA000, $0x38;
	[tilespmem:$0x1E480] =	vst v63  }
0x49: {  	s26 =	sadd.s32 $0xF000, s29;
	_ =	swait.ge [sflag:s12], $0xA000  }
0x4a: {  	s21 =	sshrl.u32 s26, $0x3;
	[sflag:s12] =	ssyncset.done $0x0  }
0x4b: {  	s21 =	sadd.s32 s28, s21;
	[sflag:s12] =	ssyncadd.s32 $0xFFFF6000  }
0x4c: {  	[tilespmem:s2], [sflag:$0x7] =	stream.linear.gather [hbm4b:s21+s2], $0x140, $0x38;
	[tilespmem:$0x1E480] =	vst v63  }
0x4d: {  	_ =	swait.ge [sflag:s3], $0x140  }
0x4e: {  	[sflag:s3] =	ssyncset.done $0x0  }
0x4f: {  	[sflag:s3] =	ssyncadd.s32 $0xFFFFFEC0  }
0x50: {  	[tilespmem:s6], [sflag:$0x1] =	stream.indirect.gather [hbm4b:s4+s5], $0x80, s2, s5, $0xb8;
	[tilespmem:$0x1E480] =	vst v63  }
0x51: {  	_ =	swait.ge [sflag:s13], $0xA000  }
0x52: {  	s22 =	sshll.u32 s22, $0x4;
	[sflag:s13] =	ssyncset.done $0x0  }
0x53: {  	s22 =	sadd.s32 s31, s22;
	[sflag:s13] =	ssyncadd.s32 $0xFFFF6000  }
0x54: {  	[hbm4b:s22+s2] =	stream.linear.scatter [tilespmem:s8], [sflag:$0x5], $0xA000, $0x38;
	[tilespmem:$0x1E480] =	vst v63  }
0x55: {  	s30 =	sadd.s32 $0x11800, s29;
	_ =	swait.ge [sflag:s14], $0xA000  }
0x56: {  	s23 =	sshrl.u32 s30, $0x3;
	[sflag:s14] =	ssyncset.done $0x0  }
0x57: {  	s23 =	sadd.s32 s28, s23;
	[sflag:s14] =	ssyncadd.s32 $0xFFFF6000  }
0x58: {  	[tilespmem:s7], [sflag:$0x7] =	stream.linear.gather [hbm4b:s23+s2], $0x140, $0x38;
	[tilespmem:$0x1E480] =	vst v63  }
0x59: {  	_ =	swait.ge [sflag:s3], $0x140  }
0x5a: {  	[sflag:s3] =	ssyncset.done $0x0  }
0x5b: {  	[sflag:s3] =	ssyncadd.s32 $0xFFFFFEC0  }
0x5c: {  	[tilespmem:s8], [sflag:$0x2] =	stream.indirect.gather [hbm4b:s4+s5], $0x80, s7, s5, $0xb8;
	[tilespmem:$0x1E480] =	vst v63  }
0x5d: {  	_ =	swait.ge [sflag:s16], $0xA000  }
0x5e: {  	s24 =	sshll.u32 s24, $0x4;
	[sflag:s16] =	ssyncset.done $0x0  }
0x5f: {  	s24 =	sadd.s32 s31, s24;
	[sflag:s16] =	ssyncadd.s32 $0xFFFF6000  }
0x60: {  	[hbm4b:s24+s2] =	stream.linear.scatter [tilespmem:s10], [sflag:$0x6], $0xA000, $0x38;
	[tilespmem:$0x1E480] =	vst v63  }
0x61: {  	s1 =	sor.u32 $0x14000, s29;
	_ =	swait.ge [sflag:s18], $0xA000  }
0x62: {  	s25 =	sshrl.u32 s1, $0x3;
	[sflag:s18] =	ssyncset.done $0x0  }
0x63: {  	s25 =	sadd.s32 s28, s25;
	[sflag:s18] =	ssyncadd.s32 $0xFFFF6000  }
0x64: {  	[tilespmem:s9], [sflag:$0x7] =	stream.linear.gather [hbm4b:s25+s2], $0x140, $0x38;
	[tilespmem:$0x1E480] =	vst v63  }
0x65: {  	_ =	swait.ge [sflag:s3], $0x140  }
0x66: {  	[sflag:s3] =	ssyncset.done $0x0  }
0x67: {  	[sflag:s3] =	ssyncadd.s32 $0xFFFFFEC0  }
0x68: {  	[tilespmem:s10], [sflag:$0x3] =	stream.indirect.gather [hbm4b:s4+s5], $0x80, s9, s5, $0xb8;
	[tilespmem:$0x1E480] =	vst v63  }
0x69: {  	_ =	swait.ge [sflag:s11], $0xA000  }
0x6a: {  	s26 =	sshll.u32 s26, $0x4;
	[sflag:s11] =	ssyncset.done $0x0  }
0x6b: {  	s26 =	sadd.s32 s31, s26;
	[sflag:s11] =	ssyncadd.s32 $0xFFFF6000  }
0x6c: {  	[hbm4b:s26+s2] =	stream.linear.scatter [tilespmem:s6], [sflag:$0x4], $0xA000, $0x38;
	[tilespmem:$0x1E480] =	vst v63  }
0x6d: {  	s0 =	sadd.s32 $0x16800, s29;
	_ =	swait.ge [sflag:s12], $0xA000  }
0x6e: {  	s29 =	sshrl.u32 s0, $0x3;
	[sflag:s12] =	ssyncset.done $0x0  }
0x6f: {  	s28 =	sadd.s32 s28, s29;
	[sflag:s12] =	ssyncadd.s32 $0xFFFF6000  }
0x70: {  	[tilespmem:s2], [sflag:$0x7] =	stream.linear.gather [hbm4b:s28+s2], $0x140, $0x38;
	[tilespmem:$0x1E480] =	vst v63  }
0x71: {  	_ =	swait.ge [sflag:s3], $0x140  }
0x72: {  	[sflag:s3] =	ssyncset.done $0x0  }
0x73: {  	[sflag:s3] =	ssyncadd.s32 $0xFFFFFEC0  }
0x74: {  	[tilespmem:s6], [sflag:$0x1] =	stream.indirect.gather [hbm4b:s4+s5], $0x80, s2, s5, $0xb8;
	[tilespmem:$0x1E480] =	vst v63  }
0x75: {  	_ =	swait.ge [sflag:s13], $0xA000  }
0x76: {  	s29 =	sshll.u32 s30, $0x4;
	[sflag:s13] =	ssyncset.done $0x0  }
0x77: {  	s29 =	sadd.s32 s31, s29;
	[sflag:s13] =	ssyncadd.s32 $0xFFFF6000  }
0x78: {  	[hbm4b:s29+s2] =	stream.linear.scatter [tilespmem:s8], [sflag:$0x5], $0xA000, $0x38;
	[tilespmem:$0x1E480] =	vst v63  }
0x79: {  	_ =	swait.ge [sflag:s16], $0xA000  }
0x7a: {  	s1 =	sshll.u32 s1, $0x4;
	[sflag:s16] =	ssyncset.done $0x0  }
0x7b: {  	s30 =	sadd.s32 s31, s1;
	[sflag:s16] =	ssyncadd.s32 $0xFFFF6000  }
0x7c: {  	[hbm4b:s30+s2] =	stream.linear.scatter [tilespmem:s10], [sflag:$0x6], $0xA000, $0x38;
	[tilespmem:$0x1E480] =	vst v63  }
0x7d: {  	_ =	swait.ge [sflag:s11], $0xA000  }
0x7e: {  	s0 =	sshll.u32 s0, $0x4;
	[sflag:s11] =	ssyncset.done $0x0  }
0x7f: {  	s31 =	sadd.s32 s31, s0;
	[sflag:s11] =	ssyncadd.s32 $0xFFFF6000  }
0x80: {  	[hbm4b:s31+s2] =	stream.linear.scatter [tilespmem:s6], [sflag:$0x4], $0xA000, $0x38;
	[tilespmem:$0x1E480] =	vst v63  }
0x81: {  	_ =	swait.ge [sflag:s14], $0xA000  }
0x82: {  	s1 =	rddreg [dreg:$0x8]  }
0x83: {  	s0 =	ssub.s32 $0x2, s1  }
0x84: {  	s1 =	sshrl.u32 s0, $0x1  }
0x85: {  	s0 =	ssub.s32 s0, s1  }
0x86: {  	s0 =	smax.u32 s0, $0x1  }
0x87: {  	[sflag:s14] =	ssyncset.done $0x0;
	p0 =	sne.s32 s0, $0x1  }
.Ltmp0:
0x88: {  	[sflag:s14] =	ssyncadd.s32 $0xFFFF6000;
	(pc) =	sbr.rel @!p0 .LBB2_2-.Ltmp0, $4  }
0x89: {  	_ =	swait.ge [sflag:s18], $0xA000  }
0x8a: {  	[sflag:s18] =	ssyncset.done $0x0  }
0x8b: {  	[sflag:s18] =	ssyncadd.s32 $0xFFFF6000  }
0x8c: {  	s1 =	sadd.s32 $0xFFFFFFFF, s0;
	_ =	swait.ge [sflag:s12], $0xA000  }
.LBB2_1:
0x8d: {  	[sflag:s12] =	ssyncset.done $0x0  }
0x8e: {  	s0 =	rddreg [dreg:$0x2];
	[sflag:s12] =	ssyncadd.s32 $0xFFFF6000  }
0x8f: {  	[tilespmem:s2], [sflag:$0x7] =	stream.linear.gather [hbm4b:s0+s2], $0x140, $0x38;
	[tilespmem:$0x1E480] =	vst v63  }
0x90: {  	_ =	swait.ge [sflag:s3], $0x140  }
0x91: {  	[sflag:s3] =	ssyncset.done $0x0  }
0x92: {  	[sflag:s3] =	ssyncadd.s32 $0xFFFFFEC0  }
0x93: {  	[tilespmem:s6], [sflag:$0x1] =	stream.indirect.gather [hbm4b:s4+s5], $0x80, s2, s5, $0xb8;
	[tilespmem:$0x1E480] =	vst v63  }
0x94: {  	s0 =	rddreg [dreg:$0x3]  }
0x95: {  	[tilespmem:s7], [sflag:$0x7] =	stream.linear.gather [hbm4b:s0+s2], $0x140, $0x38;
	[tilespmem:$0x1E480] =	vst v63  }
0x96: {  	_ =	swait.ge [sflag:s3], $0x140  }
0x97: {  	[sflag:s3] =	ssyncset.done $0x0  }
0x98: {  	[sflag:s3] =	ssyncadd.s32 $0xFFFFFEC0  }
0x99: {  	[tilespmem:s8], [sflag:$0x2] =	stream.indirect.gather [hbm4b:s4+s5], $0x80, s7, s5, $0xb8;
	[tilespmem:$0x1E480] =	vst v63  }
0x9a: {  	s0 =	rddreg [dreg:$0x4]  }
0x9b: {  	[tilespmem:s9], [sflag:$0x7] =	stream.linear.gather [hbm4b:s0+s2], $0x140, $0x38;
	[tilespmem:$0x1E480] =	vst v63  }
0x9c: {  	_ =	swait.ge [sflag:s3], $0x140  }
0x9d: {  	[sflag:s3] =	ssyncset.done $0x0  }
0x9e: {  	[sflag:s3] =	ssyncadd.s32 $0xFFFFFEC0  }
0x9f: {  	[tilespmem:s10], [sflag:$0x3] =	stream.indirect.gather [hbm4b:s4+s5], $0x80, s9, s5, $0xb8;
	[tilespmem:$0x1E480] =	vst v63  }
0xa0: {  	_ =	swait.ge [sflag:s11], $0xA000  }
0xa1: {  	[sflag:s11] =	ssyncset.done $0x0  }
0xa2: {  	s0 =	rddreg [dreg:$0x5];
	[sflag:s11] =	ssyncadd.s32 $0xFFFF6000  }
0xa3: {  	[hbm4b:s0+s2] =	stream.linear.scatter [tilespmem:s6], [sflag:$0x4], $0xA000, $0x38;
	[tilespmem:$0x1E480] =	vst v63  }
0xa4: {  	_ =	swait.ge [sflag:s12], $0xA000  }
0xa5: {  	[sflag:s12] =	ssyncset.done $0x0  }
0xa6: {  	s0 =	rddreg [dreg:$0x6];
	[sflag:s12] =	ssyncadd.s32 $0xFFFF6000  }
0xa7: {  	[tilespmem:s2], [sflag:$0x7] =	stream.linear.gather [hbm4b:s0+s2], $0x140, $0x38;
	[tilespmem:$0x1E480] =	vst v63  }
0xa8: {  	_ =	swait.ge [sflag:s3], $0x140  }
0xa9: {  	[sflag:s3] =	ssyncset.done $0x0  }
0xaa: {  	[sflag:s3] =	ssyncadd.s32 $0xFFFFFEC0  }
0xab: {  	[tilespmem:s6], [sflag:$0x1] =	stream.indirect.gather [hbm4b:s4+s5], $0x80, s2, s5, $0xb8;
	[tilespmem:$0x1E480] =	vst v63  }
0xac: {  	_ =	swait.ge [sflag:s13], $0xA000  }
0xad: {  	[sflag:s13] =	ssyncset.done $0x0  }
0xae: {  	s0 =	rddreg [dreg:$0x7];
	[sflag:s13] =	ssyncadd.s32 $0xFFFF6000  }
0xaf: {  	[hbm4b:s0+s2] =	stream.linear.scatter [tilespmem:s8], [sflag:$0x5], $0xA000, $0x38;
	[tilespmem:$0x1E480] =	vst v63  }
0xb0: {  	_ =	swait.ge [sflag:s14], $0xA000  }
0xb1: {  	[sflag:s14] =	ssyncset.done $0x0  }
0xb2: {  	[sflag:s14] =	ssyncadd.s32 $0xFFFF6000  }
0xb3: {  	[tilespmem:s7], [sflag:$0x7] =	stream.linear.gather [hbm4b:s15+s2], $0x140, $0x38;
	[tilespmem:$0x1E480] =	vst v63  }
0xb4: {  	_ =	swait.ge [sflag:s3], $0x140  }
0xb5: {  	[sflag:s3] =	ssyncset.done $0x0  }
0xb6: {  	[sflag:s3] =	ssyncadd.s32 $0xFFFFFEC0  }
0xb7: {  	[tilespmem:s8], [sflag:$0x2] =	stream.indirect.gather [hbm4b:s4+s5], $0x80, s7, s5, $0xb8;
	[tilespmem:$0x1E480] =	vst v63  }
0xb8: {  	_ =	swait.ge [sflag:s16], $0xA000  }
0xb9: {  	[sflag:s16] =	ssyncset.done $0x0  }
0xba: {  	[sflag:s16] =	ssyncadd.s32 $0xFFFF6000  }
0xbb: {  	[hbm4b:s17+s2] =	stream.linear.scatter [tilespmem:s10], [sflag:$0x6], $0xA000, $0x38;
	[tilespmem:$0x1E480] =	vst v63  }
0xbc: {  	_ =	swait.ge [sflag:s18], $0xA000  }
0xbd: {  	[sflag:s18] =	ssyncset.done $0x0  }
0xbe: {  	[sflag:s18] =	ssyncadd.s32 $0xFFFF6000  }
0xbf: {  	[tilespmem:s9], [sflag:$0x7] =	stream.linear.gather [hbm4b:s19+s2], $0x140, $0x38;
	[tilespmem:$0x1E480] =	vst v63  }
0xc0: {  	_ =	swait.ge [sflag:s3], $0x140  }
0xc1: {  	[sflag:s3] =	ssyncset.done $0x0  }
0xc2: {  	[sflag:s3] =	ssyncadd.s32 $0xFFFFFEC0  }
0xc3: {  	[tilespmem:s10], [sflag:$0x3] =	stream.indirect.gather [hbm4b:s4+s5], $0x80, s9, s5, $0xb8;
	[tilespmem:$0x1E480] =	vst v63  }
0xc4: {  	_ =	swait.ge [sflag:s11], $0xA000  }
0xc5: {  	[sflag:s11] =	ssyncset.done $0x0  }
0xc6: {  	[sflag:s11] =	ssyncadd.s32 $0xFFFF6000  }
0xc7: {  	[hbm4b:s20+s2] =	stream.linear.scatter [tilespmem:s6], [sflag:$0x4], $0xA000, $0x38;
	[tilespmem:$0x1E480] =	vst v63  }
0xc8: {  	_ =	swait.ge [sflag:s12], $0xA000  }
0xc9: {  	[sflag:s12] =	ssyncset.done $0x0  }
0xca: {  	[sflag:s12] =	ssyncadd.s32 $0xFFFF6000  }
0xcb: {  	[tilespmem:s2], [sflag:$0x7] =	stream.linear.gather [hbm4b:s21+s2], $0x140, $0x38;
	[tilespmem:$0x1E480] =	vst v63  }
0xcc: {  	_ =	swait.ge [sflag:s3], $0x140  }
0xcd: {  	[sflag:s3] =	ssyncset.done $0x0  }
0xce: {  	[sflag:s3] =	ssyncadd.s32 $0xFFFFFEC0  }
0xcf: {  	[tilespmem:s6], [sflag:$0x1] =	stream.indirect.gather [hbm4b:s4+s5], $0x80, s2, s5, $0xb8;
	[tilespmem:$0x1E480] =	vst v63  }
0xd0: {  	_ =	swait.ge [sflag:s13], $0xA000  }
0xd1: {  	[sflag:s13] =	ssyncset.done $0x0  }
0xd2: {  	[sflag:s13] =	ssyncadd.s32 $0xFFFF6000  }
0xd3: {  	[hbm4b:s22+s2] =	stream.linear.scatter [tilespmem:s8], [sflag:$0x5], $0xA000, $0x38;
	[tilespmem:$0x1E480] =	vst v63  }
0xd4: {  	_ =	swait.ge [sflag:s14], $0xA000  }
0xd5: {  	[sflag:s14] =	ssyncset.done $0x0  }
0xd6: {  	[sflag:s14] =	ssyncadd.s32 $0xFFFF6000  }
0xd7: {  	[tilespmem:s7], [sflag:$0x7] =	stream.linear.gather [hbm4b:s23+s2], $0x140, $0x38;
	[tilespmem:$0x1E480] =	vst v63  }
0xd8: {  	_ =	swait.ge [sflag:s3], $0x140  }
0xd9: {  	[sflag:s3] =	ssyncset.done $0x0  }
0xda: {  	[sflag:s3] =	ssyncadd.s32 $0xFFFFFEC0  }
0xdb: {  	[tilespmem:s8], [sflag:$0x2] =	stream.indirect.gather [hbm4b:s4+s5], $0x80, s7, s5, $0xb8;
	[tilespmem:$0x1E480] =	vst v63  }
0xdc: {  	_ =	swait.ge [sflag:s16], $0xA000  }
0xdd: {  	[sflag:s16] =	ssyncset.done $0x0  }
0xde: {  	[sflag:s16] =	ssyncadd.s32 $0xFFFF6000  }
0xdf: {  	[hbm4b:s24+s2] =	stream.linear.scatter [tilespmem:s10], [sflag:$0x6], $0xA000, $0x38;
	[tilespmem:$0x1E480] =	vst v63  }
0xe0: {  	_ =	swait.ge [sflag:s18], $0xA000  }
0xe1: {  	[sflag:s18] =	ssyncset.done $0x0  }
0xe2: {  	[sflag:s18] =	ssyncadd.s32 $0xFFFF6000  }
0xe3: {  	[tilespmem:s9], [sflag:$0x7] =	stream.linear.gather [hbm4b:s25+s2], $0x140, $0x38;
	[tilespmem:$0x1E480] =	vst v63  }
0xe4: {  	_ =	swait.ge [sflag:s3], $0x140  }
0xe5: {  	[sflag:s3] =	ssyncset.done $0x0  }
0xe6: {  	[sflag:s3] =	ssyncadd.s32 $0xFFFFFEC0  }
0xe7: {  	[tilespmem:s10], [sflag:$0x3] =	stream.indirect.gather [hbm4b:s4+s5], $0x80, s9, s5, $0xb8;
	[tilespmem:$0x1E480] =	vst v63  }
0xe8: {  	_ =	swait.ge [sflag:s11], $0xA000  }
0xe9: {  	[sflag:s11] =	ssyncset.done $0x0  }
0xea: {  	[sflag:s11] =	ssyncadd.s32 $0xFFFF6000  }
0xeb: {  	[hbm4b:s26+s2] =	stream.linear.scatter [tilespmem:s6], [sflag:$0x4], $0xA000, $0x38;
	[tilespmem:$0x1E480] =	vst v63  }
0xec: {  	_ =	swait.ge [sflag:s12], $0xA000  }
0xed: {  	[sflag:s12] =	ssyncset.done $0x0  }
0xee: {  	[sflag:s12] =	ssyncadd.s32 $0xFFFF6000  }
0xef: {  	[tilespmem:s2], [sflag:$0x7] =	stream.linear.gather [hbm4b:s28+s2], $0x140, $0x38;
	[tilespmem:$0x1E480] =	vst v63  }
0xf0: {  	_ =	swait.ge [sflag:s3], $0x140  }
0xf1: {  	[sflag:s3] =	ssyncset.done $0x0  }
0xf2: {  	[sflag:s3] =	ssyncadd.s32 $0xFFFFFEC0  }
0xf3: {  	[tilespmem:s6], [sflag:$0x1] =	stream.indirect.gather [hbm4b:s4+s5], $0x80, s2, s5, $0xb8;
	[tilespmem:$0x1E480] =	vst v63  }
0xf4: {  	_ =	swait.ge [sflag:s13], $0xA000  }
0xf5: {  	[sflag:s13] =	ssyncset.done $0x0  }
0xf6: {  	[sflag:s13] =	ssyncadd.s32 $0xFFFF6000  }
0xf7: {  	[hbm4b:s29+s2] =	stream.linear.scatter [tilespmem:s8], [sflag:$0x5], $0xA000, $0x38;
	[tilespmem:$0x1E480] =	vst v63  }
0xf8: {  	_ =	swait.ge [sflag:s16], $0xA000  }
0xf9: {  	[sflag:s16] =	ssyncset.done $0x0  }
0xfa: {  	[sflag:s16] =	ssyncadd.s32 $0xFFFF6000  }
0xfb: {  	[hbm4b:s30+s2] =	stream.linear.scatter [tilespmem:s10], [sflag:$0x6], $0xA000, $0x38;
	[tilespmem:$0x1E480] =	vst v63  }
0xfc: {  	_ =	swait.ge [sflag:s11], $0xA000  }
0xfd: {  	[sflag:s11] =	ssyncset.done $0x0  }
0xfe: {  	[sflag:s11] =	ssyncadd.s32 $0xFFFF6000  }
0xff: {  	[hbm4b:s31+s2] =	stream.linear.scatter [tilespmem:s6], [sflag:$0x4], $0xA000, $0x38;
	[tilespmem:$0x1E480] =	vst v63  }
0x100: {  	_ =	swait.ge [sflag:s14], $0xA000  }
0x101: {  	p0 =	sne.s32 s1, $0x1;
	[sflag:s14] =	ssyncset.done $0x0  }
.Ltmp1:
0x102: {  	[sflag:s14] =	ssyncadd.s32 $0xFFFF6000;
	(pc) =	sbr.rel @p0 .LBB2_1-.Ltmp1, $4  }
0x103: {  	_ =	swait.ge [sflag:s18], $0xA000  }
0x104: {  	[sflag:s18] =	ssyncset.done $0x0  }
0x105: {  	[sflag:s18] =	ssyncadd.s32 $0xFFFF6000  }
0x106: {  	s1 =	sadd.s32 $0xFFFFFFFF, s1;
	_ =	swait.ge [sflag:s12], $0xA000  }
.LBB2_2:
0x107: {  	[sflag:s12] =	ssyncset.done $0x0  }
0x108: {  	[sflag:s12] =	ssyncadd.s32 $0xFFFF6000  }
0x109: {  	_ =	sfence.sel $0x180000  }
0x10a: {  	[bflag:$0x0] =	sbarrier.arrive $0xFFFF  }
0x10b: {  	_ =	strace $0x9000004A  }
0x10c: {  	s0 =	stileid.u32;
	[bflag:$0x2] =	sbarrier.arrive $0xFFFF  }
0x10d: {  	p0 =	sne.s32 s0, $0x0;
	s0 =	rddreg [dreg:$0x1]  }
0x10e: {  	s0 =	sadd.s32 @!p0 $0x100000, s0  }
0x10f: {  	[sflag:s0] =	ssyncadd.tile.s32 @!p0 $0x1;
	_ =	shalt  }
.Lfunc_end2:
_tile_overlayer_lowered:
.L_overlay_start_2:
0x110: {  	(tag) =	ssettag $0x2  }
0x111: {  	s0 =	rddreg [dreg:$0x0];
	s2 =	stileid.u32  }
0x112: {  	s1 =	rddreg [dreg:$0x1];
	p0 =	sne.s32 s2, $0x0  }
0x113: {  	s3 =	rddreg [dreg:$0x2];
	[bflag:$0x3] =	sbarrier.arrive $0xFFFF;
	s2 =	simm.s32 @!p0 $0x1C07  }
0x114: {  	[timem:s3], [sflag:s2] =	dma.local @!p0 [hbm:s0], s1  }
0x115: {  	s0 =	simm.s32 @!p0 $0x7  }
0x116: {  	_ =	swait.ge @!p0 [sflag:s0], s1  }
0x117: {  	s1 =	ssub.s32 @!p0 $0x0, s1;
	[sflag:s0] =	ssyncset.done @!p0 $0x0  }
0x118: {  	[sflag:s0] =	ssyncadd.s32 @!p0 s1  }
0x119: {  	[bflag:$0x3] =	sbarrier.arrive $0xFFFF  }
0x11a: {  	_ =	shalt  }

</sc_bundles>
